<compile_context>
chip_gen: v7x
topology: tpu7x:2x2x1
jax: 0.10.2.dev20260603
libtpu: 0.0.44.dev20260713+nightly
codegen_flags: <defaults>
</compile_context>

<pallas_src>
import functools

import jax
import jax.numpy as jnp
from jax import lax
from jax.experimental import pallas as pl
from jax.experimental.pallas import tpu as pltpu
from jax.experimental.pallas import tpu_sc as plsc

N = 10000
D = 128
G = 64
NC, NS = 2, 16
NW = NC * NS
CHUNK = 128
NPAD = 10240
ROWS_PER_SUB = NPAD // NS


def _fill(ref, vec16):
    (n,) = ref.shape

    def body(i, _):
        ref[pl.ds(i * 16, 16)] = vec16
        return 0

    lax.fori_loop(0, n // 16, body, 0)


def _zero_rows(ref):
    r, c = ref.shape
    z = jnp.zeros((16,), jnp.float32)

    def body(i, _):
        for j in range(c // 16):
            ref[i, pl.ds(j * 16, 16)] = z
        return 0

    lax.fori_loop(0, r, body, 0)


@functools.lru_cache(maxsize=None)
def _make_deg(epad):
    e_per_w = epad // NW
    n_chunks = e_per_w // CHUNK
    mesh = plsc.VectorSubcoreMesh(core_axis_name="c", subcore_axis_name="s")

    @functools.partial(
        pl.kernel,
        mesh=mesh,
        out_type=jax.ShapeDtypeStruct((NC, NPAD), jnp.float32),
        scratch_types=[
            pltpu.VMEM((CHUNK,), jnp.int32),
            pltpu.VMEM((CHUNK,), jnp.float32),
            pltpu.VMEM((ROWS_PER_SUB,), jnp.float32),
            pltpu.VMEM_SHARED((NPAD,), jnp.float32),
        ],
    )
    def deg_kernel(dst_hbm, out_hbm, idx_v, ones_v, buf_v, acc_sh):
        c = lax.axis_index("c")
        s = lax.axis_index("s")
        wid = s * NC + c
        _fill(ones_v, jnp.full((16,), 1.0, jnp.float32))
        _fill(buf_v, jnp.zeros((16,), jnp.float32))
        pltpu.sync_copy(buf_v, acc_sh.at[pl.ds(s * ROWS_PER_SUB, ROWS_PER_SUB)])
        plsc.subcore_barrier()

        base = wid * e_per_w

        def body(i, _):
            off = base + i * CHUNK
            pltpu.sync_copy(dst_hbm.at[pl.ds(off, CHUNK)], idx_v)
            pltpu.sync_copy(ones_v, acc_sh.at[idx_v], add=True)
            return 0

        lax.fori_loop(0, n_chunks, body, 0)
        plsc.subcore_barrier()
        sl = pl.ds(s * ROWS_PER_SUB, ROWS_PER_SUB)
        pltpu.sync_copy(acc_sh.at[sl], buf_v)
        pltpu.sync_copy(buf_v, out_hbm.at[c, sl])

    return deg_kernel


@functools.lru_cache(maxsize=None)
def _make_agg(epad):
    e_per_w = epad // NW
    n_chunks = e_per_w // CHUNK
    mesh = plsc.VectorSubcoreMesh(core_axis_name="c", subcore_axis_name="s")

    @functools.partial(
        pl.kernel,
        mesh=mesh,
        out_type=jax.ShapeDtypeStruct((NC, NPAD, D), jnp.float32),
        scratch_types=[
            pltpu.VMEM((CHUNK,), jnp.int32),
            pltpu.VMEM((CHUNK,), jnp.int32),
            pltpu.VMEM((CHUNK, D), jnp.float32),
            pltpu.VMEM((CHUNK, D), jnp.float32),
            pltpu.VMEM_SHARED((NPAD, D), jnp.float32),
        ],
    )
    def agg_kernel(g_hbm, src_hbm, dst_hbm, out_hbm, sidx_v, didx_v, rows_v, zbuf_v, acc_sh):
        c = lax.axis_index("c")
        s = lax.axis_index("s")
        wid = s * NC + c
        _zero_rows(zbuf_v)
        for k in range(ROWS_PER_SUB // CHUNK):
            pltpu.sync_copy(zbuf_v, acc_sh.at[pl.ds(s * ROWS_PER_SUB + k * CHUNK, CHUNK)])
        plsc.subcore_barrier()

        base = wid * e_per_w

        def body(i, _):
            off = base + i * CHUNK
            pltpu.sync_copy(src_hbm.at[pl.ds(off, CHUNK)], sidx_v)
            pltpu.sync_copy(dst_hbm.at[pl.ds(off, CHUNK)], didx_v)
            pltpu.sync_copy(g_hbm.at[sidx_v], rows_v)
            pltpu.sync_copy(rows_v, acc_sh.at[didx_v], add=True)
            return 0

        lax.fori_loop(0, n_chunks, body, 0)
        plsc.subcore_barrier()
        for k in range(ROWS_PER_SUB // CHUNK):
            sl = pl.ds(s * ROWS_PER_SUB + k * CHUNK, CHUNK)
            pltpu.sync_copy(acc_sh.at[sl], rows_v)
            pltpu.sync_copy(rows_v, out_hbm.at[c, sl])

    return agg_kernel


def _dinv_g1_body(degp_ref, x_ref, w1_ref, dinv_ref, g1_ref):
    deg = degp_ref[0] + degp_ref[1] + 1.0
    dinv = lax.rsqrt(deg)
    dinv_ref[...] = dinv
    h = lax.dot_general(x_ref[...], w1_ref[...], (((1,), (1,)), ((), ())),
                        preferred_element_type=jnp.float32)
    g1_ref[...] = h * dinv[:N]


def _mid_body(p_ref, g_ref, dinv_ref, b_ref, w_ref, gout_ref):
    dinv = dinv_ref[...][:N]
    ssum = (p_ref[0, :N, :] + p_ref[1, :N, :] + g_ref[...]) * dinv
    h = jnp.maximum(ssum + b_ref[...], 0.0)
    g2 = lax.dot_general(h, w_ref[...], (((1,), (1,)), ((), ())),
                         preferred_element_type=jnp.float32)
    gout_ref[...] = g2 * dinv


def _final_body(p_ref, g_ref, dinv_ref, b_ref, batch_ref, wfc_ref, bfc_ref, out_ref):
    dinv = dinv_ref[...][:N]
    h = jnp.maximum((p_ref[0, :N, :] + p_ref[1, :N, :] + g_ref[...]) * dinv + b_ref[...], 0.0)
    seg = lax.broadcasted_iota(jnp.int32, (G, N), 0)
    oh = (seg == batch_ref[...]).astype(jnp.float32)
    sums = lax.dot_general(oh, h, (((1,), (0,)), ((), ())),
                           preferred_element_type=jnp.float32)
    cnt = jnp.sum(oh, axis=1, keepdims=True)
    pooled = sums / jnp.maximum(cnt, 1.0)
    o = lax.dot_general(pooled, wfc_ref[...], (((1,), (1,)), ((), ())),
                        preferred_element_type=jnp.float32)
    out_ref[...] = jnp.maximum(o + bfc_ref[...], 0.0)


def kernel(x, edge_index, batch, W1, b1, W2, b2, Wfc, bfc):
    e = edge_index.shape[1]
    step = NW * CHUNK
    epad = ((e + step - 1) // step) * step
    pad = epad - e
    src = jnp.concatenate([edge_index[0], jnp.zeros((pad,), jnp.int32)])
    dst = jnp.concatenate([edge_index[1], jnp.full((pad,), N, jnp.int32)])

    degp = _make_deg(epad)(dst)
    degp3 = degp.reshape(NC, NPAD, 1)

    dinv, g1 = pl.pallas_call(
        _dinv_g1_body,
        out_shape=[
            jax.ShapeDtypeStruct((NPAD, 1), jnp.float32),
            jax.ShapeDtypeStruct((N, D), jnp.float32),
        ],
    )(degp3, x, W1)

    agg = _make_agg(epad)
    p1 = agg(g1, src, dst)

    g2 = pl.pallas_call(
        _mid_body,
        out_shape=jax.ShapeDtypeStruct((N, D), jnp.float32),
    )(p1, g1, dinv, b1.reshape(1, D), W2)

    p2 = agg(g2, src, dst)

    out = pl.pallas_call(
        _final_body,
        out_shape=jax.ShapeDtypeStruct((G, D), jnp.float32),
    )(p2, g2, dinv, b2.reshape(1, D), batch.reshape(1, N), Wfc, bfc.reshape(1, D))
    return out

# --- scband reference (transcript-rebuilt; emitter-appended) ---
"""Pipeline reference for scband-gcn-51737176047993 (READ-ONLY COPY).

The authoritative reference and input builder live on the scoring server;
editing this copy changes nothing except your own understanding.
"""

import jax, jax.numpy as jnp
import numpy as np

N_NODES = 10000
N_EDGES = 320000
D_IN = 128
D_HID = 128
D_OUT = 128
N_GRAPHS = 64


def _glorot(key, shape):
    fan_in, fan_out = shape[1], shape[0]
    limit = np.sqrt(6.0 / (fan_in + fan_out))
    return jax.random.uniform(key, shape, dtype=jnp.float32, minval=-limit, maxval=limit)


def setup_inputs(seed: int = 0) -> dict:
    key = jax.random.key(seed)
    ks = jax.random.split(key, 8)
    x = jax.random.normal(ks[0], (N_NODES, D_IN), dtype=jnp.float32)
    edge_index = jax.random.randint(ks[1], (2, N_EDGES), 0, N_NODES, dtype=jnp.int32)
    batch = jnp.sort(jax.random.randint(ks[2], (N_NODES,), 0, N_GRAPHS, dtype=jnp.int32))
    W1 = _glorot(ks[3], (D_HID, D_IN))
    b1 = jnp.zeros((D_HID,), dtype=jnp.float32)
    W2 = _glorot(ks[4], (D_OUT, D_HID))
    b2 = jnp.zeros((D_OUT,), dtype=jnp.float32)
    Wfc = _glorot(ks[5], (D_OUT, D_OUT))
    bfc = jnp.zeros((D_OUT,), dtype=jnp.float32)
    return {"x": x, "edge_index": edge_index, "batch": batch,
            "W1": W1, "b1": b1, "W2": W2, "b2": b2, "Wfc": Wfc, "bfc": bfc}


def _gcn_conv(x, edge_index, W, b):
    # PyG GCNConv: lin(x), add self loops, sym-normalized aggregation, add bias
    N = x.shape[0]
    src = edge_index[0]
    dst = edge_index[1]
    loop = jnp.arange(N, dtype=src.dtype)
    src = jnp.concatenate([src, loop])
    dst = jnp.concatenate([dst, loop])
    h = x @ W.T
    deg = jax.ops.segment_sum(jnp.ones(src.shape, dtype=h.dtype), dst, num_segments=N)
    deg_inv_sqrt = jnp.where(deg > 0, jax.lax.rsqrt(jnp.maximum(deg, 1e-12)), 0.0)
    norm = deg_inv_sqrt[src] * deg_inv_sqrt[dst]
    msg = h[src] * norm[:, None]
    out = jax.ops.segment_sum(msg, dst, num_segments=N)
    return out + b


def reference(x, edge_index, batch, W1, b1, W2, b2, Wfc, bfc):
    h = jax.nn.relu(_gcn_conv(x, edge_index, W1, b1))
    h = jax.nn.relu(_gcn_conv(h, edge_index, W2, b2))
    sums = jax.ops.segment_sum(h, batch, num_segments=N_GRAPHS)
    cnt = jax.ops.segment_sum(jnp.ones((h.shape[0],), dtype=h.dtype), batch, num_segments=N_GRAPHS)
    pooled = sums / jnp.maximum(cnt, 1.0)[:, None]
    out = pooled @ Wfc.T + bfc
    return jax.nn.relu(out)

if __name__ == "__main__":
    import jax
    _d = setup_inputs()
    print(jax.jit(kernel)(*tuple(_d.values())))

</pallas_src>

<mosaic_0001>
#map = affine_map<(d0, d1) -> (0, 0)>
#map1 = affine_map<(d0, d1) -> (0)>
#map2 = affine_map<(d0, d1) -> (0, 0, 0)>
module attributes {stable_mosaic.version = 14 : i64} {
  func.func @agg_kernel(%arg0: i32, %arg1: i32, %arg2: memref<10000x128xf32, #tpu.memory_space<hbm>>, %arg3: memref<323584xi32, #tpu.memory_space<hbm>>, %arg4: memref<323584xi32, #tpu.memory_space<hbm>>, %arg5: memref<2x10240x128xf32, #tpu.memory_space<hbm>>, %arg6: memref<128xi32, #tpu.memory_space<vmem>>, %arg7: memref<128xi32, #tpu.memory_space<vmem>>, %arg8: memref<128x128xf32, #tpu.memory_space<vmem>>, %arg9: memref<128x128xf32, #tpu.memory_space<vmem>>, %arg10: memref<10240x128xf32, #tpu.memory_space<vmem_shared>>) attributes {dimension_semantics = [#tpu.dimension_semantics<core_parallel>, #tpu.dimension_semantics<subcore_parallel>], iteration_bounds = array<i64: 2, 16>, scalar_prefetch = 0 : i64, scratch_operands = 5 : i64, tpu.core_type = #tpu.core_type<sc_vector_subcore>, window_params = [{transform_indices = #map}, {transform_indices = #map1}, {transform_indices = #map1}, {transform_indices = #map2}]} {
    %mul3A = arith.constant 2 : i32
    %mul3A_0 = arith.muli %arg1, %mul3A : i32
    %add3A = arith.addi %mul3A_0, %arg0 : i32
    %broadcast_in_dim3A = arith.constant 0.000000e+00 : f32
    %broadcast_in_dim3A_1 = vector.broadcast %broadcast_in_dim3A : f32 to vector<16xf32>
    %scan3A = arith.constant 0 : i32
    %scan3A_2 = arith.constant 0 : i32
    %scan3A_3 = arith.constant 128 : i32
    %scan3A_4 = arith.addi %scan3A_2, %scan3A_3 : i32
    %scan3A_5 = arith.constant 1 : i32
    %scan3A_6 = scf.for %scan3A_58 = %scan3A_2 to %scan3A_4 step %scan3A_5 iter_args(%scan3A_59 = %scan3A) -> (i32)  : i32 {
      %swap3A = arith.index_cast %scan3A_58 : i32 to index
      %swap3A_60 = arith.constant 0 : index
      %swap3A_61 = tpu.vector_load %arg9[%swap3A, %swap3A_60] {strides = array<i32>} : memref<128x128xf32, #tpu.memory_space<vmem>>, vector<1x16xf32>,
      %swap3A_62 = vector.shape_cast %swap3A_61 : vector<1x16xf32> to vector<16xf32>
      %swap3A_63 = vector.shape_cast %broadcast_in_dim3A_1 : vector<16xf32> to vector<1x16xf32>
      tpu.vector_store %arg9[%swap3A, %swap3A_60], %swap3A_63 {strides = array<i32>} : memref<128x128xf32, #tpu.memory_space<vmem>>, vector<1x16xf32>,
      %swap3A_64 = arith.index_cast %scan3A_58 : i32 to index
      %swap3A_65 = arith.constant 16 : index
      %swap3A_66 = tpu.vector_load %arg9[%swap3A_64, %swap3A_65] {strides = array<i32>} : memref<128x128xf32, #tpu.memory_space<vmem>>, vector<1x16xf32>,
      %swap3A_67 = vector.shape_cast %swap3A_66 : vector<1x16xf32> to vector<16xf32>
      %swap3A_68 = vector.shape_cast %broadcast_in_dim3A_1 : vector<16xf32> to vector<1x16xf32>
      tpu.vector_store %arg9[%swap3A_64, %swap3A_65], %swap3A_68 {strides = array<i32>} : memref<128x128xf32, #tpu.memory_space<vmem>>, vector<1x16xf32>,
      %swap3A_69 = arith.index_cast %scan3A_58 : i32 to index
      %swap3A_70 = arith.constant 32 : index
      %swap3A_71 = tpu.vector_load %arg9[%swap3A_69, %swap3A_70] {strides = array<i32>} : memref<128x128xf32, #tpu.memory_space<vmem>>, vector<1x16xf32>,
      %swap3A_72 = vector.shape_cast %swap3A_71 : vector<1x16xf32> to vector<16xf32>
      %swap3A_73 = vector.shape_cast %broadcast_in_dim3A_1 : vector<16xf32> to vector<1x16xf32>
      tpu.vector_store %arg9[%swap3A_69, %swap3A_70], %swap3A_73 {strides = array<i32>} : memref<128x128xf32, #tpu.memory_space<vmem>>, vector<1x16xf32>,
      %swap3A_74 = arith.index_cast %scan3A_58 : i32 to index
      %swap3A_75 = arith.constant 48 : index
      %swap3A_76 = tpu.vector_load %arg9[%swap3A_74, %swap3A_75] {strides = array<i32>} : memref<128x128xf32, #tpu.memory_space<vmem>>, vector<1x16xf32>,
      %swap3A_77 = vector.shape_cast %swap3A_76 : vector<1x16xf32> to vector<16xf32>
      %swap3A_78 = vector.shape_cast %broadcast_in_dim3A_1 : vector<16xf32> to vector<1x16xf32>
      tpu.vector_store %arg9[%swap3A_74, %swap3A_75], %swap3A_78 {strides = array<i32>} : memref<128x128xf32, #tpu.memory_space<vmem>>, vector<1x16xf32>,
      %swap3A_79 = arith.index_cast %scan3A_58 : i32 to index
      %swap3A_80 = arith.constant 64 : index
      %swap3A_81 = tpu.vector_load %arg9[%swap3A_79, %swap3A_80] {strides = array<i32>} : memref<128x128xf32, #tpu.memory_space<vmem>>, vector<1x16xf32>,
      %swap3A_82 = vector.shape_cast %swap3A_81 : vector<1x16xf32> to vector<16xf32>
      %swap3A_83 = vector.shape_cast %broadcast_in_dim3A_1 : vector<16xf32> to vector<1x16xf32>
      tpu.vector_store %arg9[%swap3A_79, %swap3A_80], %swap3A_83 {strides = array<i32>} : memref<128x128xf32, #tpu.memory_space<vmem>>, vector<1x16xf32>,
      %swap3A_84 = arith.index_cast %scan3A_58 : i32 to index
      %swap3A_85 = arith.constant 80 : index
      %swap3A_86 = tpu.vector_load %arg9[%swap3A_84, %swap3A_85] {strides = array<i32>} : memref<128x128xf32, #tpu.memory_space<vmem>>, vector<1x16xf32>,
      %swap3A_87 = vector.shape_cast %swap3A_86 : vector<1x16xf32> to vector<16xf32>
      %swap3A_88 = vector.shape_cast %broadcast_in_dim3A_1 : vector<16xf32> to vector<1x16xf32>
      tpu.vector_store %arg9[%swap3A_84, %swap3A_85], %swap3A_88 {strides = array<i32>} : memref<128x128xf32, #tpu.memory_space<vmem>>, vector<1x16xf32>,
      %swap3A_89 = arith.index_cast %scan3A_58 : i32 to index
      %swap3A_90 = arith.constant 96 : index
      %swap3A_91 = tpu.vector_load %arg9[%swap3A_89, %swap3A_90] {strides = array<i32>} : memref<128x128xf32, #tpu.memory_space<vmem>>, vector<1x16xf32>,
      %swap3A_92 = vector.shape_cast %swap3A_91 : vector<1x16xf32> to vector<16xf32>
      %swap3A_93 = vector.shape_cast %broadcast_in_dim3A_1 : vector<16xf32> to vector<1x16xf32>
      tpu.vector_store %arg9[%swap3A_89, %swap3A_90], %swap3A_93 {strides = array<i32>} : memref<128x128xf32, #tpu.memory_space<vmem>>, vector<1x16xf32>,
      %swap3A_94 = arith.index_cast %scan3A_58 : i32 to index
      %swap3A_95 = arith.constant 112 : index
      %swap3A_96 = tpu.vector_load %arg9[%swap3A_94, %swap3A_95] {strides = array<i32>} : memref<128x128xf32, #tpu.memory_space<vmem>>, vector<1x16xf32>,
      %swap3A_97 = vector.shape_cast %swap3A_96 : vector<1x16xf32> to vector<16xf32>
      %swap3A_98 = vector.shape_cast %broadcast_in_dim3A_1 : vector<16xf32> to vector<1x16xf32>
      tpu.vector_store %arg9[%swap3A_94, %swap3A_95], %swap3A_98 {strides = array<i32>} : memref<128x128xf32, #tpu.memory_space<vmem>>, vector<1x16xf32>,
      %scan3A_99 = arith.constant 0 : i32
      scf.yield %scan3A_99 : i32
    }
    %scan3A_7 = arith.constant 128 : i32
    %mul3A_8 = arith.constant 640 : i32
    %mul3A_9 = arith.muli %arg1, %mul3A_8 : i32
    %add3A_10 = arith.constant 0 : i32
    %add3A_11 = arith.addi %mul3A_9, %add3A_10 : i32
    "tpu.region"() ({
      %run_scoped3A = tpu.sem_alloc : memref<!tpu.dma_semaphore, #tpu.memory_space<semaphore_mem>>
      %dma_start3A = arith.constant 0 : i32
      %dma_start3A_58 = tpu.memref_slice %arg10[%add3A_11, %dma_start3A] : memref<10240x128xf32, #tpu.memory_space<vmem_shared>> -> memref<128x128xf32, #tpu.memory_space<vmem_shared>>
      %dma_start3A_59 = arith.constant 0 : i32
      %dma_start3A_60 = tpu.memref_slice %arg10[%add3A_11, %dma_start3A_59] : memref<10240x128xf32, #tpu.memory_space<vmem_shared>> -> memref<128x128xf32, #tpu.memory_space<vmem_shared>>
      tpu.enqueue_dma source(%arg9 : memref<128x128xf32, #tpu.memory_space<vmem>>) target(%dma_start3A_60 : memref<128x128xf32, #tpu.memory_space<vmem_shared>>) target_semaphore(%run_scoped3A : memref<!tpu.dma_semaphore, #tpu.memory_space<semaphore_mem>>)
      %dma_wait3A = arith.constant 0 : i32
      %dma_wait3A_61 = tpu.memref_slice %arg10[%add3A_11, %dma_wait3A] : memref<10240x128xf32, #tpu.memory_space<vmem_shared>> -> memref<128x128xf32, #tpu.memory_space<vmem_shared>>
      %dma_wait3A_62 = arith.constant 0 : i32
      %dma_wait3A_63 = tpu.memref_slice %arg10[%add3A_11, %dma_wait3A_62] : memref<10240x128xf32, #tpu.memory_space<vmem_shared>> -> memref<128x128xf32, #tpu.memory_space<vmem_shared>>
      tpu.wait_dma2 semaphore(%run_scoped3A : memref<!tpu.dma_semaphore, #tpu.memory_space<semaphore_mem>>) src(%arg9 : memref<128x128xf32, #tpu.memory_space<vmem>>) dst(%dma_wait3A_63 : memref<128x128xf32, #tpu.memory_space<vmem_shared>>)
      tpu.yield
    }) : () -> ()
    %mul3A_12 = arith.constant 640 : i32
    %mul3A_13 = arith.muli %arg1, %mul3A_12 : i32
    %add3A_14 = arith.constant 128 : i32
    %add3A_15 = arith.addi %mul3A_13, %add3A_14 : i32
    "tpu.region"() ({
      %run_scoped3A = tpu.sem_alloc : memref<!tpu.dma_semaphore, #tpu.memory_space<semaphore_mem>>
      %dma_start3A = arith.constant 0 : i32
      %dma_start3A_58 = tpu.memref_slice %arg10[%add3A_15, %dma_start3A] : memref<10240x128xf32, #tpu.memory_space<vmem_shared>> -> memref<128x128xf32, #tpu.memory_space<vmem_shared>>
      %dma_start3A_59 = arith.constant 0 : i32
      %dma_start3A_60 = tpu.memref_slice %arg10[%add3A_15, %dma_start3A_59] : memref<10240x128xf32, #tpu.memory_space<vmem_shared>> -> memref<128x128xf32, #tpu.memory_space<vmem_shared>>
      tpu.enqueue_dma source(%arg9 : memref<128x128xf32, #tpu.memory_space<vmem>>) target(%dma_start3A_60 : memref<128x128xf32, #tpu.memory_space<vmem_shared>>) target_semaphore(%run_scoped3A : memref<!tpu.dma_semaphore, #tpu.memory_space<semaphore_mem>>)
      %dma_wait3A = arith.constant 0 : i32
      %dma_wait3A_61 = tpu.memref_slice %arg10[%add3A_15, %dma_wait3A] : memref<10240x128xf32, #tpu.memory_space<vmem_shared>> -> memref<128x128xf32, #tpu.memory_space<vmem_shared>>
      %dma_wait3A_62 = arith.constant 0 : i32
      %dma_wait3A_63 = tpu.memref_slice %arg10[%add3A_15, %dma_wait3A_62] : memref<10240x128xf32, #tpu.memory_space<vmem_shared>> -> memref<128x128xf32, #tpu.memory_space<vmem_shared>>
      tpu.wait_dma2 semaphore(%run_scoped3A : memref<!tpu.dma_semaphore, #tpu.memory_space<semaphore_mem>>) src(%arg9 : memref<128x128xf32, #tpu.memory_space<vmem>>) dst(%dma_wait3A_63 : memref<128x128xf32, #tpu.memory_space<vmem_shared>>)
      tpu.yield
    }) : () -> ()
    %mul3A_16 = arith.constant 640 : i32
    %mul3A_17 = arith.muli %arg1, %mul3A_16 : i32
    %add3A_18 = arith.constant 256 : i32
    %add3A_19 = arith.addi %mul3A_17, %add3A_18 : i32
    "tpu.region"() ({
      %run_scoped3A = tpu.sem_alloc : memref<!tpu.dma_semaphore, #tpu.memory_space<semaphore_mem>>
      %dma_start3A = arith.constant 0 : i32
      %dma_start3A_58 = tpu.memref_slice %arg10[%add3A_19, %dma_start3A] : memref<10240x128xf32, #tpu.memory_space<vmem_shared>> -> memref<128x128xf32, #tpu.memory_space<vmem_shared>>
      %dma_start3A_59 = arith.constant 0 : i32
      %dma_start3A_60 = tpu.memref_slice %arg10[%add3A_19, %dma_start3A_59] : memref<10240x128xf32, #tpu.memory_space<vmem_shared>> -> memref<128x128xf32, #tpu.memory_space<vmem_shared>>
      tpu.enqueue_dma source(%arg9 : memref<128x128xf32, #tpu.memory_space<vmem>>) target(%dma_start3A_60 : memref<128x128xf32, #tpu.memory_space<vmem_shared>>) target_semaphore(%run_scoped3A : memref<!tpu.dma_semaphore, #tpu.memory_space<semaphore_mem>>)
      %dma_wait3A = arith.constant 0 : i32
      %dma_wait3A_61 = tpu.memref_slice %arg10[%add3A_19, %dma_wait3A] : memref<10240x128xf32, #tpu.memory_space<vmem_shared>> -> memref<128x128xf32, #tpu.memory_space<vmem_shared>>
      %dma_wait3A_62 = arith.constant 0 : i32
      %dma_wait3A_63 = tpu.memref_slice %arg10[%add3A_19, %dma_wait3A_62] : memref<10240x128xf32, #tpu.memory_space<vmem_shared>> -> memref<128x128xf32, #tpu.memory_space<vmem_shared>>
      tpu.wait_dma2 semaphore(%run_scoped3A : memref<!tpu.dma_semaphore, #tpu.memory_space<semaphore_mem>>) src(%arg9 : memref<128x128xf32, #tpu.memory_space<vmem>>) dst(%dma_wait3A_63 : memref<128x128xf32, #tpu.memory_space<vmem_shared>>)
      tpu.yield
    }) : () -> ()
    %mul3A_20 = arith.constant 640 : i32
    %mul3A_21 = arith.muli %arg1, %mul3A_20 : i32
    %add3A_22 = arith.constant 384 : i32
    %add3A_23 = arith.addi %mul3A_21, %add3A_22 : i32
    "tpu.region"() ({
      %run_scoped3A = tpu.sem_alloc : memref<!tpu.dma_semaphore, #tpu.memory_space<semaphore_mem>>
      %dma_start3A = arith.constant 0 : i32
      %dma_start3A_58 = tpu.memref_slice %arg10[%add3A_23, %dma_start3A] : memref<10240x128xf32, #tpu.memory_space<vmem_shared>> -> memref<128x128xf32, #tpu.memory_space<vmem_shared>>
      %dma_start3A_59 = arith.constant 0 : i32
      %dma_start3A_60 = tpu.memref_slice %arg10[%add3A_23, %dma_start3A_59] : memref<10240x128xf32, #tpu.memory_space<vmem_shared>> -> memref<128x128xf32, #tpu.memory_space<vmem_shared>>
      tpu.enqueue_dma source(%arg9 : memref<128x128xf32, #tpu.memory_space<vmem>>) target(%dma_start3A_60 : memref<128x128xf32, #tpu.memory_space<vmem_shared>>) target_semaphore(%run_scoped3A : memref<!tpu.dma_semaphore, #tpu.memory_space<semaphore_mem>>)
      %dma_wait3A = arith.constant 0 : i32
      %dma_wait3A_61 = tpu.memref_slice %arg10[%add3A_23, %dma_wait3A] : memref<10240x128xf32, #tpu.memory_space<vmem_shared>> -> memref<128x128xf32, #tpu.memory_space<vmem_shared>>
      %dma_wait3A_62 = arith.constant 0 : i32
      %dma_wait3A_63 = tpu.memref_slice %arg10[%add3A_23, %dma_wait3A_62] : memref<10240x128xf32, #tpu.memory_space<vmem_shared>> -> memref<128x128xf32, #tpu.memory_space<vmem_shared>>
      tpu.wait_dma2 semaphore(%run_scoped3A : memref<!tpu.dma_semaphore, #tpu.memory_space<semaphore_mem>>) src(%arg9 : memref<128x128xf32, #tpu.memory_space<vmem>>) dst(%dma_wait3A_63 : memref<128x128xf32, #tpu.memory_space<vmem_shared>>)
      tpu.yield
    }) : () -> ()
    %mul3A_24 = arith.constant 640 : i32
    %mul3A_25 = arith.muli %arg1, %mul3A_24 : i32
    %add3A_26 = arith.constant 512 : i32
    %add3A_27 = arith.addi %mul3A_25, %add3A_26 : i32
    "tpu.region"() ({
      %run_scoped3A = tpu.sem_alloc : memref<!tpu.dma_semaphore, #tpu.memory_space<semaphore_mem>>
      %dma_start3A = arith.constant 0 : i32
      %dma_start3A_58 = tpu.memref_slice %arg10[%add3A_27, %dma_start3A] : memref<10240x128xf32, #tpu.memory_space<vmem_shared>> -> memref<128x128xf32, #tpu.memory_space<vmem_shared>>
      %dma_start3A_59 = arith.constant 0 : i32
      %dma_start3A_60 = tpu.memref_slice %arg10[%add3A_27, %dma_start3A_59] : memref<10240x128xf32, #tpu.memory_space<vmem_shared>> -> memref<128x128xf32, #tpu.memory_space<vmem_shared>>
      tpu.enqueue_dma source(%arg9 : memref<128x128xf32, #tpu.memory_space<vmem>>) target(%dma_start3A_60 : memref<128x128xf32, #tpu.memory_space<vmem_shared>>) target_semaphore(%run_scoped3A : memref<!tpu.dma_semaphore, #tpu.memory_space<semaphore_mem>>)
      %dma_wait3A = arith.constant 0 : i32
      %dma_wait3A_61 = tpu.memref_slice %arg10[%add3A_27, %dma_wait3A] : memref<10240x128xf32, #tpu.memory_space<vmem_shared>> -> memref<128x128xf32, #tpu.memory_space<vmem_shared>>
      %dma_wait3A_62 = arith.constant 0 : i32
      %dma_wait3A_63 = tpu.memref_slice %arg10[%add3A_27, %dma_wait3A_62] : memref<10240x128xf32, #tpu.memory_space<vmem_shared>> -> memref<128x128xf32, #tpu.memory_space<vmem_shared>>
      tpu.wait_dma2 semaphore(%run_scoped3A : memref<!tpu.dma_semaphore, #tpu.memory_space<semaphore_mem>>) src(%arg9 : memref<128x128xf32, #tpu.memory_space<vmem>>) dst(%dma_wait3A_63 : memref<128x128xf32, #tpu.memory_space<vmem_shared>>)
      tpu.yield
    }) : () -> ()
    %barrier3A = arith.constant 0 : index
    tpu.barrier barrier_id(%barrier3A)
    %mul3A_28 = arith.constant 10112 : i32
    %mul3A_29 = arith.muli %add3A, %mul3A_28 : i32
    %scan3A_30 = arith.constant 0 : i32
    %scan3A_31 = arith.constant 0 : i32
    %scan3A_32 = arith.constant 79 : i32
    %scan3A_33 = arith.addi %scan3A_31, %scan3A_32 : i32
    %scan3A_34 = arith.constant 1 : i32
    %scan3A_35 = scf.for %scan3A_58 = %scan3A_31 to %scan3A_33 step %scan3A_34 iter_args(%scan3A_59 = %scan3A_30) -> (i32)  : i32 {
      %mul3A_60 = arith.constant 128 : i32
      %mul3A_61 = arith.muli %scan3A_58, %mul3A_60 : i32
      %add3A_62 = arith.addi %mul3A_29, %mul3A_61 : i32
      "tpu.region"() ({
        %run_scoped3A = tpu.sem_alloc : memref<!tpu.dma_semaphore, #tpu.memory_space<semaphore_mem>>
        %dma_start3A = tpu.memref_slice %arg3[%add3A_62] : memref<323584xi32, #tpu.memory_space<hbm>> -> memref<128xi32, #tpu.memory_space<hbm>>
        %dma_start3A_64 = tpu.memref_slice %arg3[%add3A_62] : memref<323584xi32, #tpu.memory_space<hbm>> -> memref<128xi32, #tpu.memory_space<hbm>>
        tpu.enqueue_dma source(%dma_start3A_64 : memref<128xi32, #tpu.memory_space<hbm>>) target(%arg6 : memref<128xi32, #tpu.memory_space<vmem>>) target_semaphore(%run_scoped3A : memref<!tpu.dma_semaphore, #tpu.memory_space<semaphore_mem>>)
        %dma_wait3A = tpu.memref_slice %arg3[%add3A_62] : memref<323584xi32, #tpu.memory_space<hbm>> -> memref<128xi32, #tpu.memory_space<hbm>>
        %dma_wait3A_65 = tpu.memref_slice %arg3[%add3A_62] : memref<323584xi32, #tpu.memory_space<hbm>> -> memref<128xi32, #tpu.memory_space<hbm>>
        tpu.wait_dma2 semaphore(%run_scoped3A : memref<!tpu.dma_semaphore, #tpu.memory_space<semaphore_mem>>) src(%dma_wait3A_65 : memref<128xi32, #tpu.memory_space<hbm>>) dst(%arg6 : memref<128xi32, #tpu.memory_space<vmem>>)
        tpu.yield
      }) : () -> ()
      "tpu.region"() ({
        %run_scoped3A = tpu.sem_alloc : memref<!tpu.dma_semaphore, #tpu.memory_space<semaphore_mem>>
        %dma_start3A = tpu.memref_slice %arg4[%add3A_62] : memref<323584xi32, #tpu.memory_space<hbm>> -> memref<128xi32, #tpu.memory_space<hbm>>
        %dma_start3A_64 = tpu.memref_slice %arg4[%add3A_62] : memref<323584xi32, #tpu.memory_space<hbm>> -> memref<128xi32, #tpu.memory_space<hbm>>
        tpu.enqueue_dma source(%dma_start3A_64 : memref<128xi32, #tpu.memory_space<hbm>>) target(%arg7 : memref<128xi32, #tpu.memory_space<vmem>>) target_semaphore(%run_scoped3A : memref<!tpu.dma_semaphore, #tpu.memory_space<semaphore_mem>>)
        %dma_wait3A = tpu.memref_slice %arg4[%add3A_62] : memref<323584xi32, #tpu.memory_space<hbm>> -> memref<128xi32, #tpu.memory_space<hbm>>
        %dma_wait3A_65 = tpu.memref_slice %arg4[%add3A_62] : memref<323584xi32, #tpu.memory_space<hbm>> -> memref<128xi32, #tpu.memory_space<hbm>>
        tpu.wait_dma2 semaphore(%run_scoped3A : memref<!tpu.dma_semaphore, #tpu.memory_space<semaphore_mem>>) src(%dma_wait3A_65 : memref<128xi32, #tpu.memory_space<hbm>>) dst(%arg7 : memref<128xi32, #tpu.memory_space<vmem>>)
        tpu.yield
      }) : () -> ()
      "tpu.region"() ({
        %run_scoped3A = tpu.sem_alloc : memref<!tpu.dma_semaphore, #tpu.memory_space<semaphore_mem>>
        %dma_start3A = arith.constant 0 : i32
        %dma_start3A_64 = arith.constant 0 : i32
        %dma_start3A_65 = tpu.memref_slice %arg2[%dma_start3A, %dma_start3A_64] : memref<10000x128xf32, #tpu.memory_space<hbm>> -> memref<10000x128xf32, #tpu.memory_space<hbm>>
        tpu.enqueue_indirect_dma source(%dma_start3A_65 : memref<10000x128xf32, #tpu.memory_space<hbm>>) target(%arg8 : memref<128x128xf32, #tpu.memory_space<vmem>>) offsets(%arg6 : memref<128xi32, #tpu.memory_space<vmem>>) semaphore(%run_scoped3A : memref<!tpu.dma_semaphore, #tpu.memory_space<semaphore_mem>>)
        %dma_wait3A = arith.constant 0 : i32
        %dma_wait3A_66 = arith.constant 0 : i32
        %dma_wait3A_67 = tpu.memref_slice %arg2[%dma_wait3A, %dma_wait3A_66] : memref<10000x128xf32, #tpu.memory_space<hbm>> -> memref<10000x128xf32, #tpu.memory_space<hbm>>
        tpu.wait_indirect_dma semaphore(%run_scoped3A : memref<!tpu.dma_semaphore, #tpu.memory_space<semaphore_mem>>) src(%dma_wait3A_67 : memref<10000x128xf32, #tpu.memory_space<hbm>>) dst(%arg8 : memref<128x128xf32, #tpu.memory_space<vmem>>)
        tpu.yield
      }) : () -> ()
      "tpu.region"() ({
        %run_scoped3A = tpu.sem_alloc : memref<!tpu.dma_semaphore, #tpu.memory_space<semaphore_mem>>
        %dma_start3A = arith.constant 0 : i32
        %dma_start3A_64 = arith.constant 0 : i32
        %dma_start3A_65 = tpu.memref_slice %arg10[%dma_start3A, %dma_start3A_64] : memref<10240x128xf32, #tpu.memory_space<vmem_shared>> -> memref<10240x128xf32, #tpu.memory_space<vmem_shared>>
        tpu.enqueue_indirect_dma source(%arg8 : memref<128x128xf32, #tpu.memory_space<vmem>>) target(%dma_start3A_65 : memref<10240x128xf32, #tpu.memory_space<vmem_shared>>) offsets(%arg7 : memref<128xi32, #tpu.memory_space<vmem>>) semaphore(%run_scoped3A : memref<!tpu.dma_semaphore, #tpu.memory_space<semaphore_mem>>) {add = true}
        %dma_wait3A = arith.constant 0 : i32
        %dma_wait3A_66 = arith.constant 0 : i32
        %dma_wait3A_67 = tpu.memref_slice %arg10[%dma_wait3A, %dma_wait3A_66] : memref<10240x128xf32, #tpu.memory_space<vmem_shared>> -> memref<10240x128xf32, #tpu.memory_space<vmem_shared>>
        tpu.wait_indirect_dma semaphore(%run_scoped3A : memref<!tpu.dma_semaphore, #tpu.memory_space<semaphore_mem>>) src(%arg8 : memref<128x128xf32, #tpu.memory_space<vmem>>) dst(%dma_wait3A_67 : memref<10240x128xf32, #tpu.memory_space<vmem_shared>>)
        tpu.yield
      }) : () -> ()
      %scan3A_63 = arith.constant 0 : i32
      scf.yield %scan3A_63 : i32
    }
    %scan3A_36 = arith.constant 79 : i32
    %barrier3A_37 = arith.constant 0 : index
    tpu.barrier barrier_id(%barrier3A_37)
    %mul3A_38 = arith.constant 640 : i32
    %mul3A_39 = arith.muli %arg1, %mul3A_38 : i32
    %add3A_40 = arith.constant 0 : i32
    %add3A_41 = arith.addi %mul3A_39, %add3A_40 : i32
    "tpu.region"() ({
      %run_scoped3A = tpu.sem_alloc : memref<!tpu.dma_semaphore, #tpu.memory_space<semaphore_mem>>
      %dma_start3A = arith.constant 0 : i32
      %dma_start3A_58 = tpu.memref_slice %arg10[%add3A_41, %dma_start3A] : memref<10240x128xf32, #tpu.memory_space<vmem_shared>> -> memref<128x128xf32, #tpu.memory_space<vmem_shared>>
      %dma_start3A_59 = arith.constant 0 : i32
      %dma_start3A_60 = tpu.memref_slice %arg10[%add3A_41, %dma_start3A_59] : memref<10240x128xf32, #tpu.memory_space<vmem_shared>> -> memref<128x128xf32, #tpu.memory_space<vmem_shared>>
      tpu.enqueue_dma source(%dma_start3A_60 : memref<128x128xf32, #tpu.memory_space<vmem_shared>>) target(%arg8 : memref<128x128xf32, #tpu.memory_space<vmem>>) target_semaphore(%run_scoped3A : memref<!tpu.dma_semaphore, #tpu.memory_space<semaphore_mem>>)
      %dma_wait3A = arith.constant 0 : i32
      %dma_wait3A_61 = tpu.memref_slice %arg10[%add3A_41, %dma_wait3A] : memref<10240x128xf32, #tpu.memory_space<vmem_shared>> -> memref<128x128xf32, #tpu.memory_space<vmem_shared>>
      %dma_wait3A_62 = arith.constant 0 : i32
      %dma_wait3A_63 = tpu.memref_slice %arg10[%add3A_41, %dma_wait3A_62] : memref<10240x128xf32, #tpu.memory_space<vmem_shared>> -> memref<128x128xf32, #tpu.memory_space<vmem_shared>>
      tpu.wait_dma2 semaphore(%run_scoped3A : memref<!tpu.dma_semaphore, #tpu.memory_space<semaphore_mem>>) src(%dma_wait3A_63 : memref<128x128xf32, #tpu.memory_space<vmem_shared>>) dst(%arg8 : memref<128x128xf32, #tpu.memory_space<vmem>>)
      tpu.yield
    }) : () -> ()
    "tpu.region"() ({
      %run_scoped3A = tpu.sem_alloc : memref<!tpu.dma_semaphore, #tpu.memory_space<semaphore_mem>>
      %dma_start3A = arith.constant 0 : i32
      %dma_start3A_58 = tpu.memref_slice %arg5[%arg0, %add3A_41, %dma_start3A] : memref<2x10240x128xf32, #tpu.memory_space<hbm>> -> memref<1x128x128xf32, #tpu.memory_space<hbm>>
      %dma_start3A_59 = tpu.memref_squeeze %dma_start3A_58 : memref<1x128x128xf32, #tpu.memory_space<hbm>> -> memref<128x128xf32, #tpu.memory_space<hbm>>
      %dma_start3A_60 = arith.constant 0 : i32
      %dma_start3A_61 = tpu.memref_slice %arg5[%arg0, %add3A_41, %dma_start3A_60] : memref<2x10240x128xf32, #tpu.memory_space<hbm>> -> memref<1x128x128xf32, #tpu.memory_space<hbm>>
      %dma_start3A_62 = tpu.memref_squeeze %dma_start3A_61 : memref<1x128x128xf32, #tpu.memory_space<hbm>> -> memref<128x128xf32, #tpu.memory_space<hbm>>
      tpu.enqueue_dma source(%arg8 : memref<128x128xf32, #tpu.memory_space<vmem>>) target(%dma_start3A_62 : memref<128x128xf32, #tpu.memory_space<hbm>>) target_semaphore(%run_scoped3A : memref<!tpu.dma_semaphore, #tpu.memory_space<semaphore_mem>>)
      %dma_wait3A = arith.constant 0 : i32
      %dma_wait3A_63 = tpu.memref_slice %arg5[%arg0, %add3A_41, %dma_wait3A] : memref<2x10240x128xf32, #tpu.memory_space<hbm>> -> memref<1x128x128xf32, #tpu.memory_space<hbm>>
      %dma_wait3A_64 = tpu.memref_squeeze %dma_wait3A_63 : memref<1x128x128xf32, #tpu.memory_space<hbm>> -> memref<128x128xf32, #tpu.memory_space<hbm>>
      %dma_wait3A_65 = arith.constant 0 : i32
      %dma_wait3A_66 = tpu.memref_slice %arg5[%arg0, %add3A_41, %dma_wait3A_65] : memref<2x10240x128xf32, #tpu.memory_space<hbm>> -> memref<1x128x128xf32, #tpu.memory_space<hbm>>
      %dma_wait3A_67 = tpu.memref_squeeze %dma_wait3A_66 : memref<1x128x128xf32, #tpu.memory_space<hbm>> -> memref<128x128xf32, #tpu.memory_space<hbm>>
      tpu.wait_dma2 semaphore(%run_scoped3A : memref<!tpu.dma_semaphore, #tpu.memory_space<semaphore_mem>>) src(%arg8 : memref<128x128xf32, #tpu.memory_space<vmem>>) dst(%dma_wait3A_67 : memref<128x128xf32, #tpu.memory_space<hbm>>)
      tpu.yield
    }) : () -> ()
    %mul3A_42 = arith.constant 640 : i32
    %mul3A_43 = arith.muli %arg1, %mul3A_42 : i32
    %add3A_44 = arith.constant 128 : i32
    %add3A_45 = arith.addi %mul3A_43, %add3A_44 : i32
    "tpu.region"() ({
      %run_scoped3A = tpu.sem_alloc : memref<!tpu.dma_semaphore, #tpu.memory_space<semaphore_mem>>
      %dma_start3A = arith.constant 0 : i32
      %dma_start3A_58 = tpu.memref_slice %arg10[%add3A_45, %dma_start3A] : memref<10240x128xf32, #tpu.memory_space<vmem_shared>> -> memref<128x128xf32, #tpu.memory_space<vmem_shared>>
      %dma_start3A_59 = arith.constant 0 : i32
      %dma_start3A_60 = tpu.memref_slice %arg10[%add3A_45, %dma_start3A_59] : memref<10240x128xf32, #tpu.memory_space<vmem_shared>> -> memref<128x128xf32, #tpu.memory_space<vmem_shared>>
      tpu.enqueue_dma source(%dma_start3A_60 : memref<128x128xf32, #tpu.memory_space<vmem_shared>>) target(%arg8 : memref<128x128xf32, #tpu.memory_space<vmem>>) target_semaphore(%run_scoped3A : memref<!tpu.dma_semaphore, #tpu.memory_space<semaphore_mem>>)
      %dma_wait3A = arith.constant 0 : i32
      %dma_wait3A_61 = tpu.memref_slice %arg10[%add3A_45, %dma_wait3A] : memref<10240x128xf32, #tpu.memory_space<vmem_shared>> -> memref<128x128xf32, #tpu.memory_space<vmem_shared>>
      %dma_wait3A_62 = arith.constant 0 : i32
      %dma_wait3A_63 = tpu.memref_slice %arg10[%add3A_45, %dma_wait3A_62] : memref<10240x128xf32, #tpu.memory_space<vmem_shared>> -> memref<128x128xf32, #tpu.memory_space<vmem_shared>>
      tpu.wait_dma2 semaphore(%run_scoped3A : memref<!tpu.dma_semaphore, #tpu.memory_space<semaphore_mem>>) src(%dma_wait3A_63 : memref<128x128xf32, #tpu.memory_space<vmem_shared>>) dst(%arg8 : memref<128x128xf32, #tpu.memory_space<vmem>>)
      tpu.yield
    }) : () -> ()
    "tpu.region"() ({
      %run_scoped3A = tpu.sem_alloc : memref<!tpu.dma_semaphore, #tpu.memory_space<semaphore_mem>>
      %dma_start3A = arith.constant 0 : i32
      %dma_start3A_58 = tpu.memref_slice %arg5[%arg0, %add3A_45, %dma_start3A] : memref<2x10240x128xf32, #tpu.memory_space<hbm>> -> memref<1x128x128xf32, #tpu.memory_space<hbm>>
      %dma_start3A_59 = tpu.memref_squeeze %dma_start3A_58 : memref<1x128x128xf32, #tpu.memory_space<hbm>> -> memref<128x128xf32, #tpu.memory_space<hbm>>
      %dma_start3A_60 = arith.constant 0 : i32
      %dma_start3A_61 = tpu.memref_slice %arg5[%arg0, %add3A_45, %dma_start3A_60] : memref<2x10240x128xf32, #tpu.memory_space<hbm>> -> memref<1x128x128xf32, #tpu.memory_space<hbm>>
      %dma_start3A_62 = tpu.memref_squeeze %dma_start3A_61 : memref<1x128x128xf32, #tpu.memory_space<hbm>> -> memref<128x128xf32, #tpu.memory_space<hbm>>
      tpu.enqueue_dma source(%arg8 : memref<128x128xf32, #tpu.memory_space<vmem>>) target(%dma_start3A_62 : memref<128x128xf32, #tpu.memory_space<hbm>>) target_semaphore(%run_scoped3A : memref<!tpu.dma_semaphore, #tpu.memory_space<semaphore_mem>>)
      %dma_wait3A = arith.constant 0 : i32
      %dma_wait3A_63 = tpu.memref_slice %arg5[%arg0, %add3A_45, %dma_wait3A] : memref<2x10240x128xf32, #tpu.memory_space<hbm>> -> memref<1x128x128xf32, #tpu.memory_space<hbm>>
      %dma_wait3A_64 = tpu.memref_squeeze %dma_wait3A_63 : memref<1x128x128xf32, #tpu.memory_space<hbm>> -> memref<128x128xf32, #tpu.memory_space<hbm>>
      %dma_wait3A_65 = arith.constant 0 : i32
      %dma_wait3A_66 = tpu.memref_slice %arg5[%arg0, %add3A_45, %dma_wait3A_65] : memref<2x10240x128xf32, #tpu.memory_space<hbm>> -> memref<1x128x128xf32, #tpu.memory_space<hbm>>
      %dma_wait3A_67 = tpu.memref_squeeze %dma_wait3A_66 : memref<1x128x128xf32, #tpu.memory_space<hbm>> -> memref<128x128xf32, #tpu.memory_space<hbm>>
      tpu.wait_dma2 semaphore(%run_scoped3A : memref<!tpu.dma_semaphore, #tpu.memory_space<semaphore_mem>>) src(%arg8 : memref<128x128xf32, #tpu.memory_space<vmem>>) dst(%dma_wait3A_67 : memref<128x128xf32, #tpu.memory_space<hbm>>)
      tpu.yield
    }) : () -> ()
    %mul3A_46 = arith.constant 640 : i32
    %mul3A_47 = arith.muli %arg1, %mul3A_46 : i32
    %add3A_48 = arith.constant 256 : i32
    %add3A_49 = arith.addi %mul3A_47, %add3A_48 : i32
    "tpu.region"() ({
      %run_scoped3A = tpu.sem_alloc : memref<!tpu.dma_semaphore, #tpu.memory_space<semaphore_mem>>
      %dma_start3A = arith.constant 0 : i32
      %dma_start3A_58 = tpu.memref_slice %arg10[%add3A_49, %dma_start3A] : memref<10240x128xf32, #tpu.memory_space<vmem_shared>> -> memref<128x128xf32, #tpu.memory_space<vmem_shared>>
      %dma_start3A_59 = arith.constant 0 : i32
      %dma_start3A_60 = tpu.memref_slice %arg10[%add3A_49, %dma_start3A_59] : memref<10240x128xf32, #tpu.memory_space<vmem_shared>> -> memref<128x128xf32, #tpu.memory_space<vmem_shared>>
      tpu.enqueue_dma source(%dma_start3A_60 : memref<128x128xf32, #tpu.memory_space<vmem_shared>>) target(%arg8 : memref<128x128xf32, #tpu.memory_space<vmem>>) target_semaphore(%run_scoped3A : memref<!tpu.dma_semaphore, #tpu.memory_space<semaphore_mem>>)
      %dma_wait3A = arith.constant 0 : i32
      %dma_wait3A_61 = tpu.memref_slice %arg10[%add3A_49, %dma_wait3A] : memref<10240x128xf32, #tpu.memory_space<vmem_shared>> -> memref<128x128xf32, #tpu.memory_space<vmem_shared>>
      %dma_wait3A_62 = arith.constant 0 : i32
      %dma_wait3A_63 = tpu.memref_slice %arg10[%add3A_49, %dma_wait3A_62] : memref<10240x128xf32, #tpu.memory_space<vmem_shared>> -> memref<128x128xf32, #tpu.memory_space<vmem_shared>>
      tpu.wait_dma2 semaphore(%run_scoped3A : memref<!tpu.dma_semaphore, #tpu.memory_space<semaphore_mem>>) src(%dma_wait3A_63 : memref<128x128xf32, #tpu.memory_space<vmem_shared>>) dst(%arg8 : memref<128x128xf32, #tpu.memory_space<vmem>>)
      tpu.yield
    }) : () -> ()
    "tpu.region"() ({
      %run_scoped3A = tpu.sem_alloc : memref<!tpu.dma_semaphore, #tpu.memory_space<semaphore_mem>>
      %dma_start3A = arith.constant 0 : i32
      %dma_start3A_58 = tpu.memref_slice %arg5[%arg0, %add3A_49, %dma_start3A] : memref<2x10240x128xf32, #tpu.memory_space<hbm>> -> memref<1x128x128xf32, #tpu.memory_space<hbm>>
      %dma_start3A_59 = tpu.memref_squeeze %dma_start3A_58 : memref<1x128x128xf32, #tpu.memory_space<hbm>> -> memref<128x128xf32, #tpu.memory_space<hbm>>
      %dma_start3A_60 = arith.constant 0 : i32
      %dma_start3A_61 = tpu.memref_slice %arg5[%arg0, %add3A_49, %dma_start3A_60] : memref<2x10240x128xf32, #tpu.memory_space<hbm>> -> memref<1x128x128xf32, #tpu.memory_space<hbm>>
      %dma_start3A_62 = tpu.memref_squeeze %dma_start3A_61 : memref<1x128x128xf32, #tpu.memory_space<hbm>> -> memref<128x128xf32, #tpu.memory_space<hbm>>
      tpu.enqueue_dma source(%arg8 : memref<128x128xf32, #tpu.memory_space<vmem>>) target(%dma_start3A_62 : memref<128x128xf32, #tpu.memory_space<hbm>>) target_semaphore(%run_scoped3A : memref<!tpu.dma_semaphore, #tpu.memory_space<semaphore_mem>>)
      %dma_wait3A = arith.constant 0 : i32
      %dma_wait3A_63 = tpu.memref_slice %arg5[%arg0, %add3A_49, %dma_wait3A] : memref<2x10240x128xf32, #tpu.memory_space<hbm>> -> memref<1x128x128xf32, #tpu.memory_space<hbm>>
      %dma_wait3A_64 = tpu.memref_squeeze %dma_wait3A_63 : memref<1x128x128xf32, #tpu.memory_space<hbm>> -> memref<128x128xf32, #tpu.memory_space<hbm>>
      %dma_wait3A_65 = arith.constant 0 : i32
      %dma_wait3A_66 = tpu.memref_slice %arg5[%arg0, %add3A_49, %dma_wait3A_65] : memref<2x10240x128xf32, #tpu.memory_space<hbm>> -> memref<1x128x128xf32, #tpu.memory_space<hbm>>
      %dma_wait3A_67 = tpu.memref_squeeze %dma_wait3A_66 : memref<1x128x128xf32, #tpu.memory_space<hbm>> -> memref<128x128xf32, #tpu.memory_space<hbm>>
      tpu.wait_dma2 semaphore(%run_scoped3A : memref<!tpu.dma_semaphore, #tpu.memory_space<semaphore_mem>>) src(%arg8 : memref<128x128xf32, #tpu.memory_space<vmem>>) dst(%dma_wait3A_67 : memref<128x128xf32, #tpu.memory_space<hbm>>)
      tpu.yield
    }) : () -> ()
    %mul3A_50 = arith.constant 640 : i32
    %mul3A_51 = arith.muli %arg1, %mul3A_50 : i32
    %add3A_52 = arith.constant 384 : i32
    %add3A_53 = arith.addi %mul3A_51, %add3A_52 : i32
    "tpu.region"() ({
      %run_scoped3A = tpu.sem_alloc : memref<!tpu.dma_semaphore, #tpu.memory_space<semaphore_mem>>
      %dma_start3A = arith.constant 0 : i32
      %dma_start3A_58 = tpu.memref_slice %arg10[%add3A_53, %dma_start3A] : memref<10240x128xf32, #tpu.memory_space<vmem_shared>> -> memref<128x128xf32, #tpu.memory_space<vmem_shared>>
      %dma_start3A_59 = arith.constant 0 : i32
      %dma_start3A_60 = tpu.memref_slice %arg10[%add3A_53, %dma_start3A_59] : memref<10240x128xf32, #tpu.memory_space<vmem_shared>> -> memref<128x128xf32, #tpu.memory_space<vmem_shared>>
      tpu.enqueue_dma source(%dma_start3A_60 : memref<128x128xf32, #tpu.memory_space<vmem_shared>>) target(%arg8 : memref<128x128xf32, #tpu.memory_space<vmem>>) target_semaphore(%run_scoped3A : memref<!tpu.dma_semaphore, #tpu.memory_space<semaphore_mem>>)
      %dma_wait3A = arith.constant 0 : i32
      %dma_wait3A_61 = tpu.memref_slice %arg10[%add3A_53, %dma_wait3A] : memref<10240x128xf32, #tpu.memory_space<vmem_shared>> -> memref<128x128xf32, #tpu.memory_space<vmem_shared>>
      %dma_wait3A_62 = arith.constant 0 : i32
      %dma_wait3A_63 = tpu.memref_slice %arg10[%add3A_53, %dma_wait3A_62] : memref<10240x128xf32, #tpu.memory_space<vmem_shared>> -> memref<128x128xf32, #tpu.memory_space<vmem_shared>>
      tpu.wait_dma2 semaphore(%run_scoped3A : memref<!tpu.dma_semaphore, #tpu.memory_space<semaphore_mem>>) src(%dma_wait3A_63 : memref<128x128xf32, #tpu.memory_space<vmem_shared>>) dst(%arg8 : memref<128x128xf32, #tpu.memory_space<vmem>>)
      tpu.yield
    }) : () -> ()
    "tpu.region"() ({
      %run_scoped3A = tpu.sem_alloc : memref<!tpu.dma_semaphore, #tpu.memory_space<semaphore_mem>>
      %dma_start3A = arith.constant 0 : i32
      %dma_start3A_58 = tpu.memref_slice %arg5[%arg0, %add3A_53, %dma_start3A] : memref<2x10240x128xf32, #tpu.memory_space<hbm>> -> memref<1x128x128xf32, #tpu.memory_space<hbm>>
      %dma_start3A_59 = tpu.memref_squeeze %dma_start3A_58 : memref<1x128x128xf32, #tpu.memory_space<hbm>> -> memref<128x128xf32, #tpu.memory_space<hbm>>
      %dma_start3A_60 = arith.constant 0 : i32
      %dma_start3A_61 = tpu.memref_slice %arg5[%arg0, %add3A_53, %dma_start3A_60] : memref<2x10240x128xf32, #tpu.memory_space<hbm>> -> memref<1x128x128xf32, #tpu.memory_space<hbm>>
      %dma_start3A_62 = tpu.memref_squeeze %dma_start3A_61 : memref<1x128x128xf32, #tpu.memory_space<hbm>> -> memref<128x128xf32, #tpu.memory_space<hbm>>
      tpu.enqueue_dma source(%arg8 : memref<128x128xf32, #tpu.memory_space<vmem>>) target(%dma_start3A_62 : memref<128x128xf32, #tpu.memory_space<hbm>>) target_semaphore(%run_scoped3A : memref<!tpu.dma_semaphore, #tpu.memory_space<semaphore_mem>>)
      %dma_wait3A = arith.constant 0 : i32
      %dma_wait3A_63 = tpu.memref_slice %arg5[%arg0, %add3A_53, %dma_wait3A] : memref<2x10240x128xf32, #tpu.memory_space<hbm>> -> memref<1x128x128xf32, #tpu.memory_space<hbm>>
      %dma_wait3A_64 = tpu.memref_squeeze %dma_wait3A_63 : memref<1x128x128xf32, #tpu.memory_space<hbm>> -> memref<128x128xf32, #tpu.memory_space<hbm>>
      %dma_wait3A_65 = arith.constant 0 : i32
      %dma_wait3A_66 = tpu.memref_slice %arg5[%arg0, %add3A_53, %dma_wait3A_65] : memref<2x10240x128xf32, #tpu.memory_space<hbm>> -> memref<1x128x128xf32, #tpu.memory_space<hbm>>
      %dma_wait3A_67 = tpu.memref_squeeze %dma_wait3A_66 : memref<1x128x128xf32, #tpu.memory_space<hbm>> -> memref<128x128xf32, #tpu.memory_space<hbm>>
      tpu.wait_dma2 semaphore(%run_scoped3A : memref<!tpu.dma_semaphore, #tpu.memory_space<semaphore_mem>>) src(%arg8 : memref<128x128xf32, #tpu.memory_space<vmem>>) dst(%dma_wait3A_67 : memref<128x128xf32, #tpu.memory_space<hbm>>)
      tpu.yield
    }) : () -> ()
    %mul3A_54 = arith.constant 640 : i32
    %mul3A_55 = arith.muli %arg1, %mul3A_54 : i32
    %add3A_56 = arith.constant 512 : i32
    %add3A_57 = arith.addi %mul3A_55, %add3A_56 : i32
    "tpu.region"() ({
      %run_scoped3A = tpu.sem_alloc : memref<!tpu.dma_semaphore, #tpu.memory_space<semaphore_mem>>
      %dma_start3A = arith.constant 0 : i32
      %dma_start3A_58 = tpu.memref_slice %arg10[%add3A_57, %dma_start3A] : memref<10240x128xf32, #tpu.memory_space<vmem_shared>> -> memref<128x128xf32, #tpu.memory_space<vmem_shared>>
      %dma_start3A_59 = arith.constant 0 : i32
      %dma_start3A_60 = tpu.memref_slice %arg10[%add3A_57, %dma_start3A_59] : memref<10240x128xf32, #tpu.memory_space<vmem_shared>> -> memref<128x128xf32, #tpu.memory_space<vmem_shared>>
      tpu.enqueue_dma source(%dma_start3A_60 : memref<128x128xf32, #tpu.memory_space<vmem_shared>>) target(%arg8 : memref<128x128xf32, #tpu.memory_space<vmem>>) target_semaphore(%run_scoped3A : memref<!tpu.dma_semaphore, #tpu.memory_space<semaphore_mem>>)
      %dma_wait3A = arith.constant 0 : i32
      %dma_wait3A_61 = tpu.memref_slice %arg10[%add3A_57, %dma_wait3A] : memref<10240x128xf32, #tpu.memory_space<vmem_shared>> -> memref<128x128xf32, #tpu.memory_space<vmem_shared>>
      %dma_wait3A_62 = arith.constant 0 : i32
      %dma_wait3A_63 = tpu.memref_slice %arg10[%add3A_57, %dma_wait3A_62] : memref<10240x128xf32, #tpu.memory_space<vmem_shared>> -> memref<128x128xf32, #tpu.memory_space<vmem_shared>>
      tpu.wait_dma2 semaphore(%run_scoped3A : memref<!tpu.dma_semaphore, #tpu.memory_space<semaphore_mem>>) src(%dma_wait3A_63 : memref<128x128xf32, #tpu.memory_space<vmem_shared>>) dst(%arg8 : memref<128x128xf32, #tpu.memory_space<vmem>>)
      tpu.yield
    }) : () -> ()
    "tpu.region"() ({
      %run_scoped3A = tpu.sem_alloc : memref<!tpu.dma_semaphore, #tpu.memory_space<semaphore_mem>>
      %dma_start3A = arith.constant 0 : i32
      %dma_start3A_58 = tpu.memref_slice %arg5[%arg0, %add3A_57, %dma_start3A] : memref<2x10240x128xf32, #tpu.memory_space<hbm>> -> memref<1x128x128xf32, #tpu.memory_space<hbm>>
      %dma_start3A_59 = tpu.memref_squeeze %dma_start3A_58 : memref<1x128x128xf32, #tpu.memory_space<hbm>> -> memref<128x128xf32, #tpu.memory_space<hbm>>
      %dma_start3A_60 = arith.constant 0 : i32
      %dma_start3A_61 = tpu.memref_slice %arg5[%arg0, %add3A_57, %dma_start3A_60] : memref<2x10240x128xf32, #tpu.memory_space<hbm>> -> memref<1x128x128xf32, #tpu.memory_space<hbm>>
      %dma_start3A_62 = tpu.memref_squeeze %dma_start3A_61 : memref<1x128x128xf32, #tpu.memory_space<hbm>> -> memref<128x128xf32, #tpu.memory_space<hbm>>
      tpu.enqueue_dma source(%arg8 : memref<128x128xf32, #tpu.memory_space<vmem>>) target(%dma_start3A_62 : memref<128x128xf32, #tpu.memory_space<hbm>>) target_semaphore(%run_scoped3A : memref<!tpu.dma_semaphore, #tpu.memory_space<semaphore_mem>>)
      %dma_wait3A = arith.constant 0 : i32
      %dma_wait3A_63 = tpu.memref_slice %arg5[%arg0, %add3A_57, %dma_wait3A] : memref<2x10240x128xf32, #tpu.memory_space<hbm>> -> memref<1x128x128xf32, #tpu.memory_space<hbm>>
      %dma_wait3A_64 = tpu.memref_squeeze %dma_wait3A_63 : memref<1x128x128xf32, #tpu.memory_space<hbm>> -> memref<128x128xf32, #tpu.memory_space<hbm>>
      %dma_wait3A_65 = arith.constant 0 : i32
      %dma_wait3A_66 = tpu.memref_slice %arg5[%arg0, %add3A_57, %dma_wait3A_65] : memref<2x10240x128xf32, #tpu.memory_space<hbm>> -> memref<1x128x128xf32, #tpu.memory_space<hbm>>
      %dma_wait3A_67 = tpu.memref_squeeze %dma_wait3A_66 : memref<1x128x128xf32, #tpu.memory_space<hbm>> -> memref<128x128xf32, #tpu.memory_space<hbm>>
      tpu.wait_dma2 semaphore(%run_scoped3A : memref<!tpu.dma_semaphore, #tpu.memory_space<semaphore_mem>>) src(%arg8 : memref<128x128xf32, #tpu.memory_space<vmem>>) dst(%dma_wait3A_67 : memref<128x128xf32, #tpu.memory_space<hbm>>)
      tpu.yield
    }) : () -> ()
    return
  }
}

#map = affine_map<(d0, d1) -> (0)>
#map1 = affine_map<(d0, d1) -> (0, 0)>
module attributes {stable_mosaic.version = 14 : i64} {
  func.func @deg_kernel(%arg0: i32, %arg1: i32, %arg2: memref<323584xi32, #tpu.memory_space<hbm>>, %arg3: memref<2x10240xf32, #tpu.memory_space<hbm>>, %arg4: memref<128xi32, #tpu.memory_space<vmem>>, %arg5: memref<128xf32, #tpu.memory_space<vmem>>, %arg6: memref<640xf32, #tpu.memory_space<vmem>>, %arg7: memref<10240xf32, #tpu.memory_space<vmem_shared>>) attributes {dimension_semantics = [#tpu.dimension_semantics<core_parallel>, #tpu.dimension_semantics<subcore_parallel>], iteration_bounds = array<i64: 2, 16>, scalar_prefetch = 0 : i64, scratch_operands = 4 : i64, tpu.core_type = #tpu.core_type<sc_vector_subcore>, window_params = [{transform_indices = #map}, {transform_indices = #map1}]} {
    %mul3A = arith.constant 2 : i32
    %mul3A_0 = arith.muli %arg1, %mul3A : i32
    %add3A = arith.addi %mul3A_0, %arg0 : i32
    %broadcast_in_dim3A = arith.constant 1.000000e+00 : f32
    %broadcast_in_dim3A_1 = vector.broadcast %broadcast_in_dim3A : f32 to vector<16xf32>
    %scan3A = arith.constant 0 : i32
    %scan3A_2 = arith.constant 0 : i32
    %scan3A_3 = arith.constant 8 : i32
    %scan3A_4 = arith.addi %scan3A_2, %scan3A_3 : i32
    %scan3A_5 = arith.constant 1 : i32
    %scan3A_6 = scf.for %scan3A_31 = %scan3A_2 to %scan3A_4 step %scan3A_5 iter_args(%scan3A_32 = %scan3A) -> (i32)  : i32 {
      %mul3A_33 = arith.constant 16 : i32
      %mul3A_34 = arith.muli %scan3A_31, %mul3A_33 : i32
      %swap3A = arith.index_cast %mul3A_34 : i32 to index
      %swap3A_35 = tpu.vector_load %arg5[%swap3A] {strides = array<i32>} : memref<128xf32, #tpu.memory_space<vmem>>, vector<16xf32>,
      %swap3A_36 = vector.shape_cast %swap3A_35 : vector<16xf32> to vector<16xf32>
      %swap3A_37 = vector.shape_cast %broadcast_in_dim3A_1 : vector<16xf32> to vector<16xf32>
      tpu.vector_store %arg5[%swap3A], %swap3A_37 {strides = array<i32>} : memref<128xf32, #tpu.memory_space<vmem>>, vector<16xf32>,
      %scan3A_38 = arith.constant 0 : i32
      scf.yield %scan3A_38 : i32
    }
    %scan3A_7 = arith.constant 8 : i32
    %broadcast_in_dim3A_8 = arith.constant 0.000000e+00 : f32
    %broadcast_in_dim3A_9 = vector.broadcast %broadcast_in_dim3A_8 : f32 to vector<16xf32>
    %scan3A_10 = arith.constant 0 : i32
    %scan3A_11 = arith.constant 0 : i32
    %scan3A_12 = arith.constant 40 : i32
    %scan3A_13 = arith.addi %scan3A_11, %scan3A_12 : i32
    %scan3A_14 = arith.constant 1 : i32
    %scan3A_15 = scf.for %scan3A_31 = %scan3A_11 to %scan3A_13 step %scan3A_14 iter_args(%scan3A_32 = %scan3A_10) -> (i32)  : i32 {
      %mul3A_33 = arith.constant 16 : i32
      %mul3A_34 = arith.muli %scan3A_31, %mul3A_33 : i32
      %swap3A = arith.index_cast %mul3A_34 : i32 to index
      %swap3A_35 = tpu.vector_load %arg6[%swap3A] {strides = array<i32>} : memref<640xf32, #tpu.memory_space<vmem>>, vector<16xf32>,
      %swap3A_36 = vector.shape_cast %swap3A_35 : vector<16xf32> to vector<16xf32>
      %swap3A_37 = vector.shape_cast %broadcast_in_dim3A_9 : vector<16xf32> to vector<16xf32>
      tpu.vector_store %arg6[%swap3A], %swap3A_37 {strides = array<i32>} : memref<640xf32, #tpu.memory_space<vmem>>, vector<16xf32>,
      %scan3A_38 = arith.constant 0 : i32
      scf.yield %scan3A_38 : i32
    }
    %scan3A_16 = arith.constant 40 : i32
    %mul3A_17 = arith.constant 640 : i32
    %mul3A_18 = arith.muli %arg1, %mul3A_17 : i32
    "tpu.region"() ({
      %run_scoped3A = tpu.sem_alloc : memref<!tpu.dma_semaphore, #tpu.memory_space<semaphore_mem>>
      %dma_start3A = tpu.memref_slice %arg7[%mul3A_18] : memref<10240xf32, #tpu.memory_space<vmem_shared>> -> memref<640xf32, #tpu.memory_space<vmem_shared>>
      %dma_start3A_31 = tpu.memref_slice %arg7[%mul3A_18] : memref<10240xf32, #tpu.memory_space<vmem_shared>> -> memref<640xf32, #tpu.memory_space<vmem_shared>>
      tpu.enqueue_dma source(%arg6 : memref<640xf32, #tpu.memory_space<vmem>>) target(%dma_start3A_31 : memref<640xf32, #tpu.memory_space<vmem_shared>>) target_semaphore(%run_scoped3A : memref<!tpu.dma_semaphore, #tpu.memory_space<semaphore_mem>>)
      %dma_wait3A = tpu.memref_slice %arg7[%mul3A_18] : memref<10240xf32, #tpu.memory_space<vmem_shared>> -> memref<640xf32, #tpu.memory_space<vmem_shared>>
      %dma_wait3A_32 = tpu.memref_slice %arg7[%mul3A_18] : memref<10240xf32, #tpu.memory_space<vmem_shared>> -> memref<640xf32, #tpu.memory_space<vmem_shared>>
      tpu.wait_dma2 semaphore(%run_scoped3A : memref<!tpu.dma_semaphore, #tpu.memory_space<semaphore_mem>>) src(%arg6 : memref<640xf32, #tpu.memory_space<vmem>>) dst(%dma_wait3A_32 : memref<640xf32, #tpu.memory_space<vmem_shared>>)
      tpu.yield
    }) : () -> ()
    %barrier3A = arith.constant 0 : index
    tpu.barrier barrier_id(%barrier3A)
    %mul3A_19 = arith.constant 10112 : i32
    %mul3A_20 = arith.muli %add3A, %mul3A_19 : i32
    %scan3A_21 = arith.constant 0 : i32
    %scan3A_22 = arith.constant 0 : i32
    %scan3A_23 = arith.constant 79 : i32
    %scan3A_24 = arith.addi %scan3A_22, %scan3A_23 : i32
    %scan3A_25 = arith.constant 1 : i32
    %scan3A_26 = scf.for %scan3A_31 = %scan3A_22 to %scan3A_24 step %scan3A_25 iter_args(%scan3A_32 = %scan3A_21) -> (i32)  : i32 {
      %mul3A_33 = arith.constant 128 : i32
      %mul3A_34 = arith.muli %scan3A_31, %mul3A_33 : i32
      %add3A_35 = arith.addi %mul3A_20, %mul3A_34 : i32
      "tpu.region"() ({
        %run_scoped3A = tpu.sem_alloc : memref<!tpu.dma_semaphore, #tpu.memory_space<semaphore_mem>>
        %dma_start3A = tpu.memref_slice %arg2[%add3A_35] : memref<323584xi32, #tpu.memory_space<hbm>> -> memref<128xi32, #tpu.memory_space<hbm>>
        %dma_start3A_37 = tpu.memref_slice %arg2[%add3A_35] : memref<323584xi32, #tpu.memory_space<hbm>> -> memref<128xi32, #tpu.memory_space<hbm>>
        tpu.enqueue_dma source(%dma_start3A_37 : memref<128xi32, #tpu.memory_space<hbm>>) target(%arg4 : memref<128xi32, #tpu.memory_space<vmem>>) target_semaphore(%run_scoped3A : memref<!tpu.dma_semaphore, #tpu.memory_space<semaphore_mem>>)
        %dma_wait3A = tpu.memref_slice %arg2[%add3A_35] : memref<323584xi32, #tpu.memory_space<hbm>> -> memref<128xi32, #tpu.memory_space<hbm>>
        %dma_wait3A_38 = tpu.memref_slice %arg2[%add3A_35] : memref<323584xi32, #tpu.memory_space<hbm>> -> memref<128xi32, #tpu.memory_space<hbm>>
        tpu.wait_dma2 semaphore(%run_scoped3A : memref<!tpu.dma_semaphore, #tpu.memory_space<semaphore_mem>>) src(%dma_wait3A_38 : memref<128xi32, #tpu.memory_space<hbm>>) dst(%arg4 : memref<128xi32, #tpu.memory_space<vmem>>)
        tpu.yield
      }) : () -> ()
      "tpu.region"() ({
        %run_scoped3A = tpu.sem_alloc : memref<!tpu.dma_semaphore, #tpu.memory_space<semaphore_mem>>
        %dma_start3A = arith.constant 0 : i32
        %dma_start3A_37 = tpu.memref_slice %arg7[%dma_start3A] : memref<10240xf32, #tpu.memory_space<vmem_shared>> -> memref<10240xf32, #tpu.memory_space<vmem_shared>>
        tpu.enqueue_indirect_dma source(%arg5 : memref<128xf32, #tpu.memory_space<vmem>>) target(%dma_start3A_37 : memref<10240xf32, #tpu.memory_space<vmem_shared>>) offsets(%arg4 : memref<128xi32, #tpu.memory_space<vmem>>) semaphore(%run_scoped3A : memref<!tpu.dma_semaphore, #tpu.memory_space<semaphore_mem>>) {add = true}
        %dma_wait3A = arith.constant 0 : i32
        %dma_wait3A_38 = tpu.memref_slice %arg7[%dma_wait3A] : memref<10240xf32, #tpu.memory_space<vmem_shared>> -> memref<10240xf32, #tpu.memory_space<vmem_shared>>
        tpu.wait_indirect_dma semaphore(%run_scoped3A : memref<!tpu.dma_semaphore, #tpu.memory_space<semaphore_mem>>) src(%arg5 : memref<128xf32, #tpu.memory_space<vmem>>) dst(%dma_wait3A_38 : memref<10240xf32, #tpu.memory_space<vmem_shared>>)
        tpu.yield
      }) : () -> ()
      %scan3A_36 = arith.constant 0 : i32
      scf.yield %scan3A_36 : i32
    }
    %scan3A_27 = arith.constant 79 : i32
    %barrier3A_28 = arith.constant 0 : index
    tpu.barrier barrier_id(%barrier3A_28)
    %mul3A_29 = arith.constant 640 : i32
    %mul3A_30 = arith.muli %arg1, %mul3A_29 : i32
    "tpu.region"() ({
      %run_scoped3A = tpu.sem_alloc : memref<!tpu.dma_semaphore, #tpu.memory_space<semaphore_mem>>
      %dma_start3A = tpu.memref_slice %arg7[%mul3A_30] : memref<10240xf32, #tpu.memory_space<vmem_shared>> -> memref<640xf32, #tpu.memory_space<vmem_shared>>
      %dma_start3A_31 = tpu.memref_slice %arg7[%mul3A_30] : memref<10240xf32, #tpu.memory_space<vmem_shared>> -> memref<640xf32, #tpu.memory_space<vmem_shared>>
      tpu.enqueue_dma source(%dma_start3A_31 : memref<640xf32, #tpu.memory_space<vmem_shared>>) target(%arg6 : memref<640xf32, #tpu.memory_space<vmem>>) target_semaphore(%run_scoped3A : memref<!tpu.dma_semaphore, #tpu.memory_space<semaphore_mem>>)
      %dma_wait3A = tpu.memref_slice %arg7[%mul3A_30] : memref<10240xf32, #tpu.memory_space<vmem_shared>> -> memref<640xf32, #tpu.memory_space<vmem_shared>>
      %dma_wait3A_32 = tpu.memref_slice %arg7[%mul3A_30] : memref<10240xf32, #tpu.memory_space<vmem_shared>> -> memref<640xf32, #tpu.memory_space<vmem_shared>>
      tpu.wait_dma2 semaphore(%run_scoped3A : memref<!tpu.dma_semaphore, #tpu.memory_space<semaphore_mem>>) src(%dma_wait3A_32 : memref<640xf32, #tpu.memory_space<vmem_shared>>) dst(%arg6 : memref<640xf32, #tpu.memory_space<vmem>>)
      tpu.yield
    }) : () -> ()
    "tpu.region"() ({
      %run_scoped3A = tpu.sem_alloc : memref<!tpu.dma_semaphore, #tpu.memory_space<semaphore_mem>>
      %dma_start3A = tpu.memref_slice %arg3[%arg0, %mul3A_30] : memref<2x10240xf32, #tpu.memory_space<hbm>> -> memref<1x640xf32, #tpu.memory_space<hbm>>
      %dma_start3A_31 = tpu.memref_squeeze %dma_start3A : memref<1x640xf32, #tpu.memory_space<hbm>> -> memref<640xf32, #tpu.memory_space<hbm>>
      %dma_start3A_32 = tpu.memref_slice %arg3[%arg0, %mul3A_30] : memref<2x10240xf32, #tpu.memory_space<hbm>> -> memref<1x640xf32, #tpu.memory_space<hbm>>
      %dma_start3A_33 = tpu.memref_squeeze %dma_start3A_32 : memref<1x640xf32, #tpu.memory_space<hbm>> -> memref<640xf32, #tpu.memory_space<hbm>>
      tpu.enqueue_dma source(%arg6 : memref<640xf32, #tpu.memory_space<vmem>>) target(%dma_start3A_33 : memref<640xf32, #tpu.memory_space<hbm>>) target_semaphore(%run_scoped3A : memref<!tpu.dma_semaphore, #tpu.memory_space<semaphore_mem>>)
      %dma_wait3A = tpu.memref_slice %arg3[%arg0, %mul3A_30] : memref<2x10240xf32, #tpu.memory_space<hbm>> -> memref<1x640xf32, #tpu.memory_space<hbm>>
      %dma_wait3A_34 = tpu.memref_squeeze %dma_wait3A : memref<1x640xf32, #tpu.memory_space<hbm>> -> memref<640xf32, #tpu.memory_space<hbm>>
      %dma_wait3A_35 = tpu.memref_slice %arg3[%arg0, %mul3A_30] : memref<2x10240xf32, #tpu.memory_space<hbm>> -> memref<1x640xf32, #tpu.memory_space<hbm>>
      %dma_wait3A_36 = tpu.memref_squeeze %dma_wait3A_35 : memref<1x640xf32, #tpu.memory_space<hbm>> -> memref<640xf32, #tpu.memory_space<hbm>>
      tpu.wait_dma2 semaphore(%run_scoped3A : memref<!tpu.dma_semaphore, #tpu.memory_space<semaphore_mem>>) src(%arg6 : memref<640xf32, #tpu.memory_space<vmem>>) dst(%dma_wait3A_36 : memref<640xf32, #tpu.memory_space<hbm>>)
      tpu.yield
    }) : () -> ()
    return
  }
}

#map = affine_map<(d0, d1) -> (0, 0)>
#map1 = affine_map<(d0, d1) -> (0)>
#map2 = affine_map<(d0, d1) -> (0, 0, 0)>
module attributes {stable_mosaic.version = 14 : i64} {
  func.func @agg_kernel(%arg0: i32, %arg1: i32, %arg2: memref<10000x128xf32, #tpu.memory_space<hbm>>, %arg3: memref<323584xi32, #tpu.memory_space<hbm>>, %arg4: memref<323584xi32, #tpu.memory_space<hbm>>, %arg5: memref<2x10240x128xf32, #tpu.memory_space<hbm>>, %arg6: memref<128xi32, #tpu.memory_space<vmem>>, %arg7: memref<128xi32, #tpu.memory_space<vmem>>, %arg8: memref<128x128xf32, #tpu.memory_space<vmem>>, %arg9: memref<128x128xf32, #tpu.memory_space<vmem>>, %arg10: memref<10240x128xf32, #tpu.memory_space<vmem_shared>>) attributes {dimension_semantics = [#tpu.dimension_semantics<core_parallel>, #tpu.dimension_semantics<subcore_parallel>], iteration_bounds = array<i64: 2, 16>, scalar_prefetch = 0 : i64, scratch_operands = 5 : i64, tpu.core_type = #tpu.core_type<sc_vector_subcore>, window_params = [{transform_indices = #map}, {transform_indices = #map1}, {transform_indices = #map1}, {transform_indices = #map2}]} {
    %mul3A = arith.constant 2 : i32
    %mul3A_0 = arith.muli %arg1, %mul3A : i32
    %add3A = arith.addi %mul3A_0, %arg0 : i32
    %broadcast_in_dim3A = arith.constant 0.000000e+00 : f32
    %broadcast_in_dim3A_1 = vector.broadcast %broadcast_in_dim3A : f32 to vector<16xf32>
    %scan3A = arith.constant 0 : i32
    %scan3A_2 = arith.constant 0 : i32
    %scan3A_3 = arith.constant 128 : i32
    %scan3A_4 = arith.addi %scan3A_2, %scan3A_3 : i32
    %scan3A_5 = arith.constant 1 : i32
    %scan3A_6 = scf.for %scan3A_58 = %scan3A_2 to %scan3A_4 step %scan3A_5 iter_args(%scan3A_59 = %scan3A) -> (i32)  : i32 {
      %swap3A = arith.index_cast %scan3A_58 : i32 to index
      %swap3A_60 = arith.constant 0 : index
      %swap3A_61 = tpu.vector_load %arg9[%swap3A, %swap3A_60] {strides = array<i32>} : memref<128x128xf32, #tpu.memory_space<vmem>>, vector<1x16xf32>,
      %swap3A_62 = vector.shape_cast %swap3A_61 : vector<1x16xf32> to vector<16xf32>
      %swap3A_63 = vector.shape_cast %broadcast_in_dim3A_1 : vector<16xf32> to vector<1x16xf32>
      tpu.vector_store %arg9[%swap3A, %swap3A_60], %swap3A_63 {strides = array<i32>} : memref<128x128xf32, #tpu.memory_space<vmem>>, vector<1x16xf32>,
      %swap3A_64 = arith.index_cast %scan3A_58 : i32 to index
      %swap3A_65 = arith.constant 16 : index
      %swap3A_66 = tpu.vector_load %arg9[%swap3A_64, %swap3A_65] {strides = array<i32>} : memref<128x128xf32, #tpu.memory_space<vmem>>, vector<1x16xf32>,
      %swap3A_67 = vector.shape_cast %swap3A_66 : vector<1x16xf32> to vector<16xf32>
      %swap3A_68 = vector.shape_cast %broadcast_in_dim3A_1 : vector<16xf32> to vector<1x16xf32>
      tpu.vector_store %arg9[%swap3A_64, %swap3A_65], %swap3A_68 {strides = array<i32>} : memref<128x128xf32, #tpu.memory_space<vmem>>, vector<1x16xf32>,
      %swap3A_69 = arith.index_cast %scan3A_58 : i32 to index
      %swap3A_70 = arith.constant 32 : index
      %swap3A_71 = tpu.vector_load %arg9[%swap3A_69, %swap3A_70] {strides = array<i32>} : memref<128x128xf32, #tpu.memory_space<vmem>>, vector<1x16xf32>,
      %swap3A_72 = vector.shape_cast %swap3A_71 : vector<1x16xf32> to vector<16xf32>
      %swap3A_73 = vector.shape_cast %broadcast_in_dim3A_1 : vector<16xf32> to vector<1x16xf32>
      tpu.vector_store %arg9[%swap3A_69, %swap3A_70], %swap3A_73 {strides = array<i32>} : memref<128x128xf32, #tpu.memory_space<vmem>>, vector<1x16xf32>,
      %swap3A_74 = arith.index_cast %scan3A_58 : i32 to index
      %swap3A_75 = arith.constant 48 : index
      %swap3A_76 = tpu.vector_load %arg9[%swap3A_74, %swap3A_75] {strides = array<i32>} : memref<128x128xf32, #tpu.memory_space<vmem>>, vector<1x16xf32>,
      %swap3A_77 = vector.shape_cast %swap3A_76 : vector<1x16xf32> to vector<16xf32>
      %swap3A_78 = vector.shape_cast %broadcast_in_dim3A_1 : vector<16xf32> to vector<1x16xf32>
      tpu.vector_store %arg9[%swap3A_74, %swap3A_75], %swap3A_78 {strides = array<i32>} : memref<128x128xf32, #tpu.memory_space<vmem>>, vector<1x16xf32>,
      %swap3A_79 = arith.index_cast %scan3A_58 : i32 to index
      %swap3A_80 = arith.constant 64 : index
      %swap3A_81 = tpu.vector_load %arg9[%swap3A_79, %swap3A_80] {strides = array<i32>} : memref<128x128xf32, #tpu.memory_space<vmem>>, vector<1x16xf32>,
      %swap3A_82 = vector.shape_cast %swap3A_81 : vector<1x16xf32> to vector<16xf32>
      %swap3A_83 = vector.shape_cast %broadcast_in_dim3A_1 : vector<16xf32> to vector<1x16xf32>
      tpu.vector_store %arg9[%swap3A_79, %swap3A_80], %swap3A_83 {strides = array<i32>} : memref<128x128xf32, #tpu.memory_space<vmem>>, vector<1x16xf32>,
      %swap3A_84 = arith.index_cast %scan3A_58 : i32 to index
      %swap3A_85 = arith.constant 80 : index
      %swap3A_86 = tpu.vector_load %arg9[%swap3A_84, %swap3A_85] {strides = array<i32>} : memref<128x128xf32, #tpu.memory_space<vmem>>, vector<1x16xf32>,
      %swap3A_87 = vector.shape_cast %swap3A_86 : vector<1x16xf32> to vector<16xf32>
      %swap3A_88 = vector.shape_cast %broadcast_in_dim3A_1 : vector<16xf32> to vector<1x16xf32>
      tpu.vector_store %arg9[%swap3A_84, %swap3A_85], %swap3A_88 {strides = array<i32>} : memref<128x128xf32, #tpu.memory_space<vmem>>, vector<1x16xf32>,
      %swap3A_89 = arith.index_cast %scan3A_58 : i32 to index
      %swap3A_90 = arith.constant 96 : index
      %swap3A_91 = tpu.vector_load %arg9[%swap3A_89, %swap3A_90] {strides = array<i32>} : memref<128x128xf32, #tpu.memory_space<vmem>>, vector<1x16xf32>,
      %swap3A_92 = vector.shape_cast %swap3A_91 : vector<1x16xf32> to vector<16xf32>
      %swap3A_93 = vector.shape_cast %broadcast_in_dim3A_1 : vector<16xf32> to vector<1x16xf32>
      tpu.vector_store %arg9[%swap3A_89, %swap3A_90], %swap3A_93 {strides = array<i32>} : memref<128x128xf32, #tpu.memory_space<vmem>>, vector<1x16xf32>,
      %swap3A_94 = arith.index_cast %scan3A_58 : i32 to index
      %swap3A_95 = arith.constant 112 : index
      %swap3A_96 = tpu.vector_load %arg9[%swap3A_94, %swap3A_95] {strides = array<i32>} : memref<128x128xf32, #tpu.memory_space<vmem>>, vector<1x16xf32>,
      %swap3A_97 = vector.shape_cast %swap3A_96 : vector<1x16xf32> to vector<16xf32>
      %swap3A_98 = vector.shape_cast %broadcast_in_dim3A_1 : vector<16xf32> to vector<1x16xf32>
      tpu.vector_store %arg9[%swap3A_94, %swap3A_95], %swap3A_98 {strides = array<i32>} : memref<128x128xf32, #tpu.memory_space<vmem>>, vector<1x16xf32>,
      %scan3A_99 = arith.constant 0 : i32
      scf.yield %scan3A_99 : i32
    }
    %scan3A_7 = arith.constant 128 : i32
    %mul3A_8 = arith.constant 640 : i32
    %mul3A_9 = arith.muli %arg1, %mul3A_8 : i32
    %add3A_10 = arith.constant 0 : i32
    %add3A_11 = arith.addi %mul3A_9, %add3A_10 : i32
    "tpu.region"() ({
      %run_scoped3A = tpu.sem_alloc : memref<!tpu.dma_semaphore, #tpu.memory_space<semaphore_mem>>
      %dma_start3A = arith.constant 0 : i32
      %dma_start3A_58 = tpu.memref_slice %arg10[%add3A_11, %dma_start3A] : memref<10240x128xf32, #tpu.memory_space<vmem_shared>> -> memref<128x128xf32, #tpu.memory_space<vmem_shared>>
      %dma_start3A_59 = arith.constant 0 : i32
      %dma_start3A_60 = tpu.memref_slice %arg10[%add3A_11, %dma_start3A_59] : memref<10240x128xf32, #tpu.memory_space<vmem_shared>> -> memref<128x128xf32, #tpu.memory_space<vmem_shared>>
      tpu.enqueue_dma source(%arg9 : memref<128x128xf32, #tpu.memory_space<vmem>>) target(%dma_start3A_60 : memref<128x128xf32, #tpu.memory_space<vmem_shared>>) target_semaphore(%run_scoped3A : memref<!tpu.dma_semaphore, #tpu.memory_space<semaphore_mem>>)
      %dma_wait3A = arith.constant 0 : i32
      %dma_wait3A_61 = tpu.memref_slice %arg10[%add3A_11, %dma_wait3A] : memref<10240x128xf32, #tpu.memory_space<vmem_shared>> -> memref<128x128xf32, #tpu.memory_space<vmem_shared>>
      %dma_wait3A_62 = arith.constant 0 : i32
      %dma_wait3A_63 = tpu.memref_slice %arg10[%add3A_11, %dma_wait3A_62] : memref<10240x128xf32, #tpu.memory_space<vmem_shared>> -> memref<128x128xf32, #tpu.memory_space<vmem_shared>>
      tpu.wait_dma2 semaphore(%run_scoped3A : memref<!tpu.dma_semaphore, #tpu.memory_space<semaphore_mem>>) src(%arg9 : memref<128x128xf32, #tpu.memory_space<vmem>>) dst(%dma_wait3A_63 : memref<128x128xf32, #tpu.memory_space<vmem_shared>>)
      tpu.yield
    }) : () -> ()
    %mul3A_12 = arith.constant 640 : i32
    %mul3A_13 = arith.muli %arg1, %mul3A_12 : i32
    %add3A_14 = arith.constant 128 : i32
    %add3A_15 = arith.addi %mul3A_13, %add3A_14 : i32
    "tpu.region"() ({
      %run_scoped3A = tpu.sem_alloc : memref<!tpu.dma_semaphore, #tpu.memory_space<semaphore_mem>>
      %dma_start3A = arith.constant 0 : i32
      %dma_start3A_58 = tpu.memref_slice %arg10[%add3A_15, %dma_start3A] : memref<10240x128xf32, #tpu.memory_space<vmem_shared>> -> memref<128x128xf32, #tpu.memory_space<vmem_shared>>
      %dma_start3A_59 = arith.constant 0 : i32
      %dma_start3A_60 = tpu.memref_slice %arg10[%add3A_15, %dma_start3A_59] : memref<10240x128xf32, #tpu.memory_space<vmem_shared>> -> memref<128x128xf32, #tpu.memory_space<vmem_shared>>
      tpu.enqueue_dma source(%arg9 : memref<128x128xf32, #tpu.memory_space<vmem>>) target(%dma_start3A_60 : memref<128x128xf32, #tpu.memory_space<vmem_shared>>) target_semaphore(%run_scoped3A : memref<!tpu.dma_semaphore, #tpu.memory_space<semaphore_mem>>)
      %dma_wait3A = arith.constant 0 : i32
      %dma_wait3A_61 = tpu.memref_slice %arg10[%add3A_15, %dma_wait3A] : memref<10240x128xf32, #tpu.memory_space<vmem_shared>> -> memref<128x128xf32, #tpu.memory_space<vmem_shared>>
      %dma_wait3A_62 = arith.constant 0 : i32
      %dma_wait3A_63 = tpu.memref_slice %arg10[%add3A_15, %dma_wait3A_62] : memref<10240x128xf32, #tpu.memory_space<vmem_shared>> -> memref<128x128xf32, #tpu.memory_space<vmem_shared>>
      tpu.wait_dma2 semaphore(%run_scoped3A : memref<!tpu.dma_semaphore, #tpu.memory_space<semaphore_mem>>) src(%arg9 : memref<128x128xf32, #tpu.memory_space<vmem>>) dst(%dma_wait3A_63 : memref<128x128xf32, #tpu.memory_space<vmem_shared>>)
      tpu.yield
    }) : () -> ()
    %mul3A_16 = arith.constant 640 : i32
    %mul3A_17 = arith.muli %arg1, %mul3A_16 : i32
    %add3A_18 = arith.constant 256 : i32
    %add3A_19 = arith.addi %mul3A_17, %add3A_18 : i32
    "tpu.region"() ({
      %run_scoped3A = tpu.sem_alloc : memref<!tpu.dma_semaphore, #tpu.memory_space<semaphore_mem>>
      %dma_start3A = arith.constant 0 : i32
      %dma_start3A_58 = tpu.memref_slice %arg10[%add3A_19, %dma_start3A] : memref<10240x128xf32, #tpu.memory_space<vmem_shared>> -> memref<128x128xf32, #tpu.memory_space<vmem_shared>>
      %dma_start3A_59 = arith.constant 0 : i32
      %dma_start3A_60 = tpu.memref_slice %arg10[%add3A_19, %dma_start3A_59] : memref<10240x128xf32, #tpu.memory_space<vmem_shared>> -> memref<128x128xf32, #tpu.memory_space<vmem_shared>>
      tpu.enqueue_dma source(%arg9 : memref<128x128xf32, #tpu.memory_space<vmem>>) target(%dma_start3A_60 : memref<128x128xf32, #tpu.memory_space<vmem_shared>>) target_semaphore(%run_scoped3A : memref<!tpu.dma_semaphore, #tpu.memory_space<semaphore_mem>>)
      %dma_wait3A = arith.constant 0 : i32
      %dma_wait3A_61 = tpu.memref_slice %arg10[%add3A_19, %dma_wait3A] : memref<10240x128xf32, #tpu.memory_space<vmem_shared>> -> memref<128x128xf32, #tpu.memory_space<vmem_shared>>
      %dma_wait3A_62 = arith.constant 0 : i32
      %dma_wait3A_63 = tpu.memref_slice %arg10[%add3A_19, %dma_wait3A_62] : memref<10240x128xf32, #tpu.memory_space<vmem_shared>> -> memref<128x128xf32, #tpu.memory_space<vmem_shared>>
      tpu.wait_dma2 semaphore(%run_scoped3A : memref<!tpu.dma_semaphore, #tpu.memory_space<semaphore_mem>>) src(%arg9 : memref<128x128xf32, #tpu.memory_space<vmem>>) dst(%dma_wait3A_63 : memref<128x128xf32, #tpu.memory_space<vmem_shared>>)
      tpu.yield
    }) : () -> ()
    %mul3A_20 = arith.constant 640 : i32
    %mul3A_21 = arith.muli %arg1, %mul3A_20 : i32
    %add3A_22 = arith.constant 384 : i32
    %add3A_23 = arith.addi %mul3A_21, %add3A_22 : i32
    "tpu.region"() ({
      %run_scoped3A = tpu.sem_alloc : memref<!tpu.dma_semaphore, #tpu.memory_space<semaphore_mem>>
      %dma_start3A = arith.constant 0 : i32
      %dma_start3A_58 = tpu.memref_slice %arg10[%add3A_23, %dma_start3A] : memref<10240x128xf32, #tpu.memory_space<vmem_shared>> -> memref<128x128xf32, #tpu.memory_space<vmem_shared>>
      %dma_start3A_59 = arith.constant 0 : i32
      %dma_start3A_60 = tpu.memref_slice %arg10[%add3A_23, %dma_start3A_59] : memref<10240x128xf32, #tpu.memory_space<vmem_shared>> -> memref<128x128xf32, #tpu.memory_space<vmem_shared>>
      tpu.enqueue_dma source(%arg9 : memref<128x128xf32, #tpu.memory_space<vmem>>) target(%dma_start3A_60 : memref<128x128xf32, #tpu.memory_space<vmem_shared>>) target_semaphore(%run_scoped3A : memref<!tpu.dma_semaphore, #tpu.memory_space<semaphore_mem>>)
      %dma_wait3A = arith.constant 0 : i32
      %dma_wait3A_61 = tpu.memref_slice %arg10[%add3A_23, %dma_wait3A] : memref<10240x128xf32, #tpu.memory_space<vmem_shared>> -> memref<128x128xf32, #tpu.memory_space<vmem_shared>>
      %dma_wait3A_62 = arith.constant 0 : i32
      %dma_wait3A_63 = tpu.memref_slice %arg10[%add3A_23, %dma_wait3A_62] : memref<10240x128xf32, #tpu.memory_space<vmem_shared>> -> memref<128x128xf32, #tpu.memory_space<vmem_shared>>
      tpu.wait_dma2 semaphore(%run_scoped3A : memref<!tpu.dma_semaphore, #tpu.memory_space<semaphore_mem>>) src(%arg9 : memref<128x128xf32, #tpu.memory_space<vmem>>) dst(%dma_wait3A_63 : memref<128x128xf32, #tpu.memory_space<vmem_shared>>)
      tpu.yield
    }) : () -> ()
    %mul3A_24 = arith.constant 640 : i32
    %mul3A_25 = arith.muli %arg1, %mul3A_24 : i32
    %add3A_26 = arith.constant 512 : i32
    %add3A_27 = arith.addi %mul3A_25, %add3A_26 : i32
    "tpu.region"() ({
      %run_scoped3A = tpu.sem_alloc : memref<!tpu.dma_semaphore, #tpu.memory_space<semaphore_mem>>
      %dma_start3A = arith.constant 0 : i32
      %dma_start3A_58 = tpu.memref_slice %arg10[%add3A_27, %dma_start3A] : memref<10240x128xf32, #tpu.memory_space<vmem_shared>> -> memref<128x128xf32, #tpu.memory_space<vmem_shared>>
      %dma_start3A_59 = arith.constant 0 : i32
      %dma_start3A_60 = tpu.memref_slice %arg10[%add3A_27, %dma_start3A_59] : memref<10240x128xf32, #tpu.memory_space<vmem_shared>> -> memref<128x128xf32, #tpu.memory_space<vmem_shared>>
      tpu.enqueue_dma source(%arg9 : memref<128x128xf32, #tpu.memory_space<vmem>>) target(%dma_start3A_60 : memref<128x128xf32, #tpu.memory_space<vmem_shared>>) target_semaphore(%run_scoped3A : memref<!tpu.dma_semaphore, #tpu.memory_space<semaphore_mem>>)
      %dma_wait3A = arith.constant 0 : i32
      %dma_wait3A_61 = tpu.memref_slice %arg10[%add3A_27, %dma_wait3A] : memref<10240x128xf32, #tpu.memory_space<vmem_shared>> -> memref<128x128xf32, #tpu.memory_space<vmem_shared>>
      %dma_wait3A_62 = arith.constant 0 : i32
      %dma_wait3A_63 = tpu.memref_slice %arg10[%add3A_27, %dma_wait3A_62] : memref<10240x128xf32, #tpu.memory_space<vmem_shared>> -> memref<128x128xf32, #tpu.memory_space<vmem_shared>>
      tpu.wait_dma2 semaphore(%run_scoped3A : memref<!tpu.dma_semaphore, #tpu.memory_space<semaphore_mem>>) src(%arg9 : memref<128x128xf32, #tpu.memory_space<vmem>>) dst(%dma_wait3A_63 : memref<128x128xf32, #tpu.memory_space<vmem_shared>>)
      tpu.yield
    }) : () -> ()
    %barrier3A = arith.constant 0 : index
    tpu.barrier barrier_id(%barrier3A)
    %mul3A_28 = arith.constant 10112 : i32
    %mul3A_29 = arith.muli %add3A, %mul3A_28 : i32
    %scan3A_30 = arith.constant 0 : i32
    %scan3A_31 = arith.constant 0 : i32
    %scan3A_32 = arith.constant 79 : i32
    %scan3A_33 = arith.addi %scan3A_31, %scan3A_32 : i32
    %scan3A_34 = arith.constant 1 : i32
    %scan3A_35 = scf.for %scan3A_58 = %scan3A_31 to %scan3A_33 step %scan3A_34 iter_args(%scan3A_59 = %scan3A_30) -> (i32)  : i32 {
      %mul3A_60 = arith.constant 128 : i32
      %mul3A_61 = arith.muli %scan3A_58, %mul3A_60 : i32
      %add3A_62 = arith.addi %mul3A_29, %mul3A_61 : i32
      "tpu.region"() ({
        %run_scoped3A = tpu.sem_alloc : memref<!tpu.dma_semaphore, #tpu.memory_space<semaphore_mem>>
        %dma_start3A = tpu.memref_slice %arg3[%add3A_62] : memref<323584xi32, #tpu.memory_space<hbm>> -> memref<128xi32, #tpu.memory_space<hbm>>
        %dma_start3A_64 = tpu.memref_slice %arg3[%add3A_62] : memref<323584xi32, #tpu.memory_space<hbm>> -> memref<128xi32, #tpu.memory_space<hbm>>
        tpu.enqueue_dma source(%dma_start3A_64 : memref<128xi32, #tpu.memory_space<hbm>>) target(%arg6 : memref<128xi32, #tpu.memory_space<vmem>>) target_semaphore(%run_scoped3A : memref<!tpu.dma_semaphore, #tpu.memory_space<semaphore_mem>>)
        %dma_wait3A = tpu.memref_slice %arg3[%add3A_62] : memref<323584xi32, #tpu.memory_space<hbm>> -> memref<128xi32, #tpu.memory_space<hbm>>
        %dma_wait3A_65 = tpu.memref_slice %arg3[%add3A_62] : memref<323584xi32, #tpu.memory_space<hbm>> -> memref<128xi32, #tpu.memory_space<hbm>>
        tpu.wait_dma2 semaphore(%run_scoped3A : memref<!tpu.dma_semaphore, #tpu.memory_space<semaphore_mem>>) src(%dma_wait3A_65 : memref<128xi32, #tpu.memory_space<hbm>>) dst(%arg6 : memref<128xi32, #tpu.memory_space<vmem>>)
        tpu.yield
      }) : () -> ()
      "tpu.region"() ({
        %run_scoped3A = tpu.sem_alloc : memref<!tpu.dma_semaphore, #tpu.memory_space<semaphore_mem>>
        %dma_start3A = tpu.memref_slice %arg4[%add3A_62] : memref<323584xi32, #tpu.memory_space<hbm>> -> memref<128xi32, #tpu.memory_space<hbm>>
        %dma_start3A_64 = tpu.memref_slice %arg4[%add3A_62] : memref<323584xi32, #tpu.memory_space<hbm>> -> memref<128xi32, #tpu.memory_space<hbm>>
        tpu.enqueue_dma source(%dma_start3A_64 : memref<128xi32, #tpu.memory_space<hbm>>) target(%arg7 : memref<128xi32, #tpu.memory_space<vmem>>) target_semaphore(%run_scoped3A : memref<!tpu.dma_semaphore, #tpu.memory_space<semaphore_mem>>)
        %dma_wait3A = tpu.memref_slice %arg4[%add3A_62] : memref<323584xi32, #tpu.memory_space<hbm>> -> memref<128xi32, #tpu.memory_space<hbm>>
        %dma_wait3A_65 = tpu.memref_slice %arg4[%add3A_62] : memref<323584xi32, #tpu.memory_space<hbm>> -> memref<128xi32, #tpu.memory_space<hbm>>
        tpu.wait_dma2 semaphore(%run_scoped3A : memref<!tpu.dma_semaphore, #tpu.memory_space<semaphore_mem>>) src(%dma_wait3A_65 : memref<128xi32, #tpu.memory_space<hbm>>) dst(%arg7 : memref<128xi32, #tpu.memory_space<vmem>>)
        tpu.yield
      }) : () -> ()
      "tpu.region"() ({
        %run_scoped3A = tpu.sem_alloc : memref<!tpu.dma_semaphore, #tpu.memory_space<semaphore_mem>>
        %dma_start3A = arith.constant 0 : i32
        %dma_start3A_64 = arith.constant 0 : i32
        %dma_start3A_65 = tpu.memref_slice %arg2[%dma_start3A, %dma_start3A_64] : memref<10000x128xf32, #tpu.memory_space<hbm>> -> memref<10000x128xf32, #tpu.memory_space<hbm>>
        tpu.enqueue_indirect_dma source(%dma_start3A_65 : memref<10000x128xf32, #tpu.memory_space<hbm>>) target(%arg8 : memref<128x128xf32, #tpu.memory_space<vmem>>) offsets(%arg6 : memref<128xi32, #tpu.memory_space<vmem>>) semaphore(%run_scoped3A : memref<!tpu.dma_semaphore, #tpu.memory_space<semaphore_mem>>)
        %dma_wait3A = arith.constant 0 : i32
        %dma_wait3A_66 = arith.constant 0 : i32
        %dma_wait3A_67 = tpu.memref_slice %arg2[%dma_wait3A, %dma_wait3A_66] : memref<10000x128xf32, #tpu.memory_space<hbm>> -> memref<10000x128xf32, #tpu.memory_space<hbm>>
        tpu.wait_indirect_dma semaphore(%run_scoped3A : memref<!tpu.dma_semaphore, #tpu.memory_space<semaphore_mem>>) src(%dma_wait3A_67 : memref<10000x128xf32, #tpu.memory_space<hbm>>) dst(%arg8 : memref<128x128xf32, #tpu.memory_space<vmem>>)
        tpu.yield
      }) : () -> ()
      "tpu.region"() ({
        %run_scoped3A = tpu.sem_alloc : memref<!tpu.dma_semaphore, #tpu.memory_space<semaphore_mem>>
        %dma_start3A = arith.constant 0 : i32
        %dma_start3A_64 = arith.constant 0 : i32
        %dma_start3A_65 = tpu.memref_slice %arg10[%dma_start3A, %dma_start3A_64] : memref<10240x128xf32, #tpu.memory_space<vmem_shared>> -> memref<10240x128xf32, #tpu.memory_space<vmem_shared>>
        tpu.enqueue_indirect_dma source(%arg8 : memref<128x128xf32, #tpu.memory_space<vmem>>) target(%dma_start3A_65 : memref<10240x128xf32, #tpu.memory_space<vmem_shared>>) offsets(%arg7 : memref<128xi32, #tpu.memory_space<vmem>>) semaphore(%run_scoped3A : memref<!tpu.dma_semaphore, #tpu.memory_space<semaphore_mem>>) {add = true}
        %dma_wait3A = arith.constant 0 : i32
        %dma_wait3A_66 = arith.constant 0 : i32
        %dma_wait3A_67 = tpu.memref_slice %arg10[%dma_wait3A, %dma_wait3A_66] : memref<10240x128xf32, #tpu.memory_space<vmem_shared>> -> memref<10240x128xf32, #tpu.memory_space<vmem_shared>>
        tpu.wait_indirect_dma semaphore(%run_scoped3A : memref<!tpu.dma_semaphore, #tpu.memory_space<semaphore_mem>>) src(%arg8 : memref<128x128xf32, #tpu.memory_space<vmem>>) dst(%dma_wait3A_67 : memref<10240x128xf32, #tpu.memory_space<vmem_shared>>)
        tpu.yield
      }) : () -> ()
      %scan3A_63 = arith.constant 0 : i32
      scf.yield %scan3A_63 : i32
    }
    %scan3A_36 = arith.constant 79 : i32
    %barrier3A_37 = arith.constant 0 : index
    tpu.barrier barrier_id(%barrier3A_37)
    %mul3A_38 = arith.constant 640 : i32
    %mul3A_39 = arith.muli %arg1, %mul3A_38 : i32
    %add3A_40 = arith.constant 0 : i32
    %add3A_41 = arith.addi %mul3A_39, %add3A_40 : i32
    "tpu.region"() ({
      %run_scoped3A = tpu.sem_alloc : memref<!tpu.dma_semaphore, #tpu.memory_space<semaphore_mem>>
      %dma_start3A = arith.constant 0 : i32
      %dma_start3A_58 = tpu.memref_slice %arg10[%add3A_41, %dma_start3A] : memref<10240x128xf32, #tpu.memory_space<vmem_shared>> -> memref<128x128xf32, #tpu.memory_space<vmem_shared>>
      %dma_start3A_59 = arith.constant 0 : i32
      %dma_start3A_60 = tpu.memref_slice %arg10[%add3A_41, %dma_start3A_59] : memref<10240x128xf32, #tpu.memory_space<vmem_shared>> -> memref<128x128xf32, #tpu.memory_space<vmem_shared>>
      tpu.enqueue_dma source(%dma_start3A_60 : memref<128x128xf32, #tpu.memory_space<vmem_shared>>) target(%arg8 : memref<128x128xf32, #tpu.memory_space<vmem>>) target_semaphore(%run_scoped3A : memref<!tpu.dma_semaphore, #tpu.memory_space<semaphore_mem>>)
      %dma_wait3A = arith.constant 0 : i32
      %dma_wait3A_61 = tpu.memref_slice %arg10[%add3A_41, %dma_wait3A] : memref<10240x128xf32, #tpu.memory_space<vmem_shared>> -> memref<128x128xf32, #tpu.memory_space<vmem_shared>>
      %dma_wait3A_62 = arith.constant 0 : i32
      %dma_wait3A_63 = tpu.memref_slice %arg10[%add3A_41, %dma_wait3A_62] : memref<10240x128xf32, #tpu.memory_space<vmem_shared>> -> memref<128x128xf32, #tpu.memory_space<vmem_shared>>
      tpu.wait_dma2 semaphore(%run_scoped3A : memref<!tpu.dma_semaphore, #tpu.memory_space<semaphore_mem>>) src(%dma_wait3A_63 : memref<128x128xf32, #tpu.memory_space<vmem_shared>>) dst(%arg8 : memref<128x128xf32, #tpu.memory_space<vmem>>)
      tpu.yield
    }) : () -> ()
    "tpu.region"() ({
      %run_scoped3A = tpu.sem_alloc : memref<!tpu.dma_semaphore, #tpu.memory_space<semaphore_mem>>
      %dma_start3A = arith.constant 0 : i32
      %dma_start3A_58 = tpu.memref_slice %arg5[%arg0, %add3A_41, %dma_start3A] : memref<2x10240x128xf32, #tpu.memory_space<hbm>> -> memref<1x128x128xf32, #tpu.memory_space<hbm>>
      %dma_start3A_59 = tpu.memref_squeeze %dma_start3A_58 : memref<1x128x128xf32, #tpu.memory_space<hbm>> -> memref<128x128xf32, #tpu.memory_space<hbm>>
      %dma_start3A_60 = arith.constant 0 : i32
      %dma_start3A_61 = tpu.memref_slice %arg5[%arg0, %add3A_41, %dma_start3A_60] : memref<2x10240x128xf32, #tpu.memory_space<hbm>> -> memref<1x128x128xf32, #tpu.memory_space<hbm>>
      %dma_start3A_62 = tpu.memref_squeeze %dma_start3A_61 : memref<1x128x128xf32, #tpu.memory_space<hbm>> -> memref<128x128xf32, #tpu.memory_space<hbm>>
      tpu.enqueue_dma source(%arg8 : memref<128x128xf32, #tpu.memory_space<vmem>>) target(%dma_start3A_62 : memref<128x128xf32, #tpu.memory_space<hbm>>) target_semaphore(%run_scoped3A : memref<!tpu.dma_semaphore, #tpu.memory_space<semaphore_mem>>)
      %dma_wait3A = arith.constant 0 : i32
      %dma_wait3A_63 = tpu.memref_slice %arg5[%arg0, %add3A_41, %dma_wait3A] : memref<2x10240x128xf32, #tpu.memory_space<hbm>> -> memref<1x128x128xf32, #tpu.memory_space<hbm>>
      %dma_wait3A_64 = tpu.memref_squeeze %dma_wait3A_63 : memref<1x128x128xf32, #tpu.memory_space<hbm>> -> memref<128x128xf32, #tpu.memory_space<hbm>>
      %dma_wait3A_65 = arith.constant 0 : i32
      %dma_wait3A_66 = tpu.memref_slice %arg5[%arg0, %add3A_41, %dma_wait3A_65] : memref<2x10240x128xf32, #tpu.memory_space<hbm>> -> memref<1x128x128xf32, #tpu.memory_space<hbm>>
      %dma_wait3A_67 = tpu.memref_squeeze %dma_wait3A_66 : memref<1x128x128xf32, #tpu.memory_space<hbm>> -> memref<128x128xf32, #tpu.memory_space<hbm>>
      tpu.wait_dma2 semaphore(%run_scoped3A : memref<!tpu.dma_semaphore, #tpu.memory_space<semaphore_mem>>) src(%arg8 : memref<128x128xf32, #tpu.memory_space<vmem>>) dst(%dma_wait3A_67 : memref<128x128xf32, #tpu.memory_space<hbm>>)
      tpu.yield
    }) : () -> ()
    %mul3A_42 = arith.constant 640 : i32
    %mul3A_43 = arith.muli %arg1, %mul3A_42 : i32
    %add3A_44 = arith.constant 128 : i32
    %add3A_45 = arith.addi %mul3A_43, %add3A_44 : i32
    "tpu.region"() ({
      %run_scoped3A = tpu.sem_alloc : memref<!tpu.dma_semaphore, #tpu.memory_space<semaphore_mem>>
      %dma_start3A = arith.constant 0 : i32
      %dma_start3A_58 = tpu.memref_slice %arg10[%add3A_45, %dma_start3A] : memref<10240x128xf32, #tpu.memory_space<vmem_shared>> -> memref<128x128xf32, #tpu.memory_space<vmem_shared>>
      %dma_start3A_59 = arith.constant 0 : i32
      %dma_start3A_60 = tpu.memref_slice %arg10[%add3A_45, %dma_start3A_59] : memref<10240x128xf32, #tpu.memory_space<vmem_shared>> -> memref<128x128xf32, #tpu.memory_space<vmem_shared>>
      tpu.enqueue_dma source(%dma_start3A_60 : memref<128x128xf32, #tpu.memory_space<vmem_shared>>) target(%arg8 : memref<128x128xf32, #tpu.memory_space<vmem>>) target_semaphore(%run_scoped3A : memref<!tpu.dma_semaphore, #tpu.memory_space<semaphore_mem>>)
      %dma_wait3A = arith.constant 0 : i32
      %dma_wait3A_61 = tpu.memref_slice %arg10[%add3A_45, %dma_wait3A] : memref<10240x128xf32, #tpu.memory_space<vmem_shared>> -> memref<128x128xf32, #tpu.memory_space<vmem_shared>>
      %dma_wait3A_62 = arith.constant 0 : i32
      %dma_wait3A_63 = tpu.memref_slice %arg10[%add3A_45, %dma_wait3A_62] : memref<10240x128xf32, #tpu.memory_space<vmem_shared>> -> memref<128x128xf32, #tpu.memory_space<vmem_shared>>
      tpu.wait_dma2 semaphore(%run_scoped3A : memref<!tpu.dma_semaphore, #tpu.memory_space<semaphore_mem>>) src(%dma_wait3A_63 : memref<128x128xf32, #tpu.memory_space<vmem_shared>>) dst(%arg8 : memref<128x128xf32, #tpu.memory_space<vmem>>)
      tpu.yield
    }) : () -> ()
    "tpu.region"() ({
      %run_scoped3A = tpu.sem_alloc : memref<!tpu.dma_semaphore, #tpu.memory_space<semaphore_mem>>
      %dma_start3A = arith.constant 0 : i32
      %dma_start3A_58 = tpu.memref_slice %arg5[%arg0, %add3A_45, %dma_start3A] : memref<2x10240x128xf32, #tpu.memory_space<hbm>> -> memref<1x128x128xf32, #tpu.memory_space<hbm>>
      %dma_start3A_59 = tpu.memref_squeeze %dma_start3A_58 : memref<1x128x128xf32, #tpu.memory_space<hbm>> -> memref<128x128xf32, #tpu.memory_space<hbm>>
      %dma_start3A_60 = arith.constant 0 : i32
      %dma_start3A_61 = tpu.memref_slice %arg5[%arg0, %add3A_45, %dma_start3A_60] : memref<2x10240x128xf32, #tpu.memory_space<hbm>> -> memref<1x128x128xf32, #tpu.memory_space<hbm>>
      %dma_start3A_62 = tpu.memref_squeeze %dma_start3A_61 : memref<1x128x128xf32, #tpu.memory_space<hbm>> -> memref<128x128xf32, #tpu.memory_space<hbm>>
      tpu.enqueue_dma source(%arg8 : memref<128x128xf32, #tpu.memory_space<vmem>>) target(%dma_start3A_62 : memref<128x128xf32, #tpu.memory_space<hbm>>) target_semaphore(%run_scoped3A : memref<!tpu.dma_semaphore, #tpu.memory_space<semaphore_mem>>)
      %dma_wait3A = arith.constant 0 : i32
      %dma_wait3A_63 = tpu.memref_slice %arg5[%arg0, %add3A_45, %dma_wait3A] : memref<2x10240x128xf32, #tpu.memory_space<hbm>> -> memref<1x128x128xf32, #tpu.memory_space<hbm>>
      %dma_wait3A_64 = tpu.memref_squeeze %dma_wait3A_63 : memref<1x128x128xf32, #tpu.memory_space<hbm>> -> memref<128x128xf32, #tpu.memory_space<hbm>>
      %dma_wait3A_65 = arith.constant 0 : i32
      %dma_wait3A_66 = tpu.memref_slice %arg5[%arg0, %add3A_45, %dma_wait3A_65] : memref<2x10240x128xf32, #tpu.memory_space<hbm>> -> memref<1x128x128xf32, #tpu.memory_space<hbm>>
      %dma_wait3A_67 = tpu.memref_squeeze %dma_wait3A_66 : memref<1x128x128xf32, #tpu.memory_space<hbm>> -> memref<128x128xf32, #tpu.memory_space<hbm>>
      tpu.wait_dma2 semaphore(%run_scoped3A : memref<!tpu.dma_semaphore, #tpu.memory_space<semaphore_mem>>) src(%arg8 : memref<128x128xf32, #tpu.memory_space<vmem>>) dst(%dma_wait3A_67 : memref<128x128xf32, #tpu.memory_space<hbm>>)
      tpu.yield
    }) : () -> ()
    %mul3A_46 = arith.constant 640 : i32
    %mul3A_47 = arith.muli %arg1, %mul3A_46 : i32
    %add3A_48 = arith.constant 256 : i32
    %add3A_49 = arith.addi %mul3A_47, %add3A_48 : i32
    "tpu.region"() ({
      %run_scoped3A = tpu.sem_alloc : memref<!tpu.dma_semaphore, #tpu.memory_space<semaphore_mem>>
      %dma_start3A = arith.constant 0 : i32
      %dma_start3A_58 = tpu.memref_slice %arg10[%add3A_49, %dma_start3A] : memref<10240x128xf32, #tpu.memory_space<vmem_shared>> -> memref<128x128xf32, #tpu.memory_space<vmem_shared>>
      %dma_start3A_59 = arith.constant 0 : i32
      %dma_start3A_60 = tpu.memref_slice %arg10[%add3A_49, %dma_start3A_59] : memref<10240x128xf32, #tpu.memory_space<vmem_shared>> -> memref<128x128xf32, #tpu.memory_space<vmem_shared>>
      tpu.enqueue_dma source(%dma_start3A_60 : memref<128x128xf32, #tpu.memory_space<vmem_shared>>) target(%arg8 : memref<128x128xf32, #tpu.memory_space<vmem>>) target_semaphore(%run_scoped3A : memref<!tpu.dma_semaphore, #tpu.memory_space<semaphore_mem>>)
      %dma_wait3A = arith.constant 0 : i32
      %dma_wait3A_61 = tpu.memref_slice %arg10[%add3A_49, %dma_wait3A] : memref<10240x128xf32, #tpu.memory_space<vmem_shared>> -> memref<128x128xf32, #tpu.memory_space<vmem_shared>>
      %dma_wait3A_62 = arith.constant 0 : i32
      %dma_wait3A_63 = tpu.memref_slice %arg10[%add3A_49, %dma_wait3A_62] : memref<10240x128xf32, #tpu.memory_space<vmem_shared>> -> memref<128x128xf32, #tpu.memory_space<vmem_shared>>
      tpu.wait_dma2 semaphore(%run_scoped3A : memref<!tpu.dma_semaphore, #tpu.memory_space<semaphore_mem>>) src(%dma_wait3A_63 : memref<128x128xf32, #tpu.memory_space<vmem_shared>>) dst(%arg8 : memref<128x128xf32, #tpu.memory_space<vmem>>)
      tpu.yield
    }) : () -> ()
    "tpu.region"() ({
      %run_scoped3A = tpu.sem_alloc : memref<!tpu.dma_semaphore, #tpu.memory_space<semaphore_mem>>
      %dma_start3A = arith.constant 0 : i32
      %dma_start3A_58 = tpu.memref_slice %arg5[%arg0, %add3A_49, %dma_start3A] : memref<2x10240x128xf32, #tpu.memory_space<hbm>> -> memref<1x128x128xf32, #tpu.memory_space<hbm>>
      %dma_start3A_59 = tpu.memref_squeeze %dma_start3A_58 : memref<1x128x128xf32, #tpu.memory_space<hbm>> -> memref<128x128xf32, #tpu.memory_space<hbm>>
      %dma_start3A_60 = arith.constant 0 : i32
      %dma_start3A_61 = tpu.memref_slice %arg5[%arg0, %add3A_49, %dma_start3A_60] : memref<2x10240x128xf32, #tpu.memory_space<hbm>> -> memref<1x128x128xf32, #tpu.memory_space<hbm>>
      %dma_start3A_62 = tpu.memref_squeeze %dma_start3A_61 : memref<1x128x128xf32, #tpu.memory_space<hbm>> -> memref<128x128xf32, #tpu.memory_space<hbm>>
      tpu.enqueue_dma source(%arg8 : memref<128x128xf32, #tpu.memory_space<vmem>>) target(%dma_start3A_62 : memref<128x128xf32, #tpu.memory_space<hbm>>) target_semaphore(%run_scoped3A : memref<!tpu.dma_semaphore, #tpu.memory_space<semaphore_mem>>)
      %dma_wait3A = arith.constant 0 : i32
      %dma_wait3A_63 = tpu.memref_slice %arg5[%arg0, %add3A_49, %dma_wait3A] : memref<2x10240x128xf32, #tpu.memory_space<hbm>> -> memref<1x128x128xf32, #tpu.memory_space<hbm>>
      %dma_wait3A_64 = tpu.memref_squeeze %dma_wait3A_63 : memref<1x128x128xf32, #tpu.memory_space<hbm>> -> memref<128x128xf32, #tpu.memory_space<hbm>>
      %dma_wait3A_65 = arith.constant 0 : i32
      %dma_wait3A_66 = tpu.memref_slice %arg5[%arg0, %add3A_49, %dma_wait3A_65] : memref<2x10240x128xf32, #tpu.memory_space<hbm>> -> memref<1x128x128xf32, #tpu.memory_space<hbm>>
      %dma_wait3A_67 = tpu.memref_squeeze %dma_wait3A_66 : memref<1x128x128xf32, #tpu.memory_space<hbm>> -> memref<128x128xf32, #tpu.memory_space<hbm>>
      tpu.wait_dma2 semaphore(%run_scoped3A : memref<!tpu.dma_semaphore, #tpu.memory_space<semaphore_mem>>) src(%arg8 : memref<128x128xf32, #tpu.memory_space<vmem>>) dst(%dma_wait3A_67 : memref<128x128xf32, #tpu.memory_space<hbm>>)
      tpu.yield
    }) : () -> ()
    %mul3A_50 = arith.constant 640 : i32
    %mul3A_51 = arith.muli %arg1, %mul3A_50 : i32
    %add3A_52 = arith.constant 384 : i32
    %add3A_53 = arith.addi %mul3A_51, %add3A_52 : i32
    "tpu.region"() ({
      %run_scoped3A = tpu.sem_alloc : memref<!tpu.dma_semaphore, #tpu.memory_space<semaphore_mem>>
      %dma_start3A = arith.constant 0 : i32
      %dma_start3A_58 = tpu.memref_slice %arg10[%add3A_53, %dma_start3A] : memref<10240x128xf32, #tpu.memory_space<vmem_shared>> -> memref<128x128xf32, #tpu.memory_space<vmem_shared>>
      %dma_start3A_59 = arith.constant 0 : i32
      %dma_start3A_60 = tpu.memref_slice %arg10[%add3A_53, %dma_start3A_59] : memref<10240x128xf32, #tpu.memory_space<vmem_shared>> -> memref<128x128xf32, #tpu.memory_space<vmem_shared>>
      tpu.enqueue_dma source(%dma_start3A_60 : memref<128x128xf32, #tpu.memory_space<vmem_shared>>) target(%arg8 : memref<128x128xf32, #tpu.memory_space<vmem>>) target_semaphore(%run_scoped3A : memref<!tpu.dma_semaphore, #tpu.memory_space<semaphore_mem>>)
      %dma_wait3A = arith.constant 0 : i32
      %dma_wait3A_61 = tpu.memref_slice %arg10[%add3A_53, %dma_wait3A] : memref<10240x128xf32, #tpu.memory_space<vmem_shared>> -> memref<128x128xf32, #tpu.memory_space<vmem_shared>>
      %dma_wait3A_62 = arith.constant 0 : i32
      %dma_wait3A_63 = tpu.memref_slice %arg10[%add3A_53, %dma_wait3A_62] : memref<10240x128xf32, #tpu.memory_space<vmem_shared>> -> memref<128x128xf32, #tpu.memory_space<vmem_shared>>
      tpu.wait_dma2 semaphore(%run_scoped3A : memref<!tpu.dma_semaphore, #tpu.memory_space<semaphore_mem>>) src(%dma_wait3A_63 : memref<128x128xf32, #tpu.memory_space<vmem_shared>>) dst(%arg8 : memref<128x128xf32, #tpu.memory_space<vmem>>)
      tpu.yield
    }) : () -> ()
    "tpu.region"() ({
      %run_scoped3A = tpu.sem_alloc : memref<!tpu.dma_semaphore, #tpu.memory_space<semaphore_mem>>
      %dma_start3A = arith.constant 0 : i32
      %dma_start3A_58 = tpu.memref_slice %arg5[%arg0, %add3A_53, %dma_start3A] : memref<2x10240x128xf32, #tpu.memory_space<hbm>> -> memref<1x128x128xf32, #tpu.memory_space<hbm>>
      %dma_start3A_59 = tpu.memref_squeeze %dma_start3A_58 : memref<1x128x128xf32, #tpu.memory_space<hbm>> -> memref<128x128xf32, #tpu.memory_space<hbm>>
      %dma_start3A_60 = arith.constant 0 : i32
      %dma_start3A_61 = tpu.memref_slice %arg5[%arg0, %add3A_53, %dma_start3A_60] : memref<2x10240x128xf32, #tpu.memory_space<hbm>> -> memref<1x128x128xf32, #tpu.memory_space<hbm>>
      %dma_start3A_62 = tpu.memref_squeeze %dma_start3A_61 : memref<1x128x128xf32, #tpu.memory_space<hbm>> -> memref<128x128xf32, #tpu.memory_space<hbm>>
      tpu.enqueue_dma source(%arg8 : memref<128x128xf32, #tpu.memory_space<vmem>>) target(%dma_start3A_62 : memref<128x128xf32, #tpu.memory_space<hbm>>) target_semaphore(%run_scoped3A : memref<!tpu.dma_semaphore, #tpu.memory_space<semaphore_mem>>)
      %dma_wait3A = arith.constant 0 : i32
      %dma_wait3A_63 = tpu.memref_slice %arg5[%arg0, %add3A_53, %dma_wait3A] : memref<2x10240x128xf32, #tpu.memory_space<hbm>> -> memref<1x128x128xf32, #tpu.memory_space<hbm>>
      %dma_wait3A_64 = tpu.memref_squeeze %dma_wait3A_63 : memref<1x128x128xf32, #tpu.memory_space<hbm>> -> memref<128x128xf32, #tpu.memory_space<hbm>>
      %dma_wait3A_65 = arith.constant 0 : i32
      %dma_wait3A_66 = tpu.memref_slice %arg5[%arg0, %add3A_53, %dma_wait3A_65] : memref<2x10240x128xf32, #tpu.memory_space<hbm>> -> memref<1x128x128xf32, #tpu.memory_space<hbm>>
      %dma_wait3A_67 = tpu.memref_squeeze %dma_wait3A_66 : memref<1x128x128xf32, #tpu.memory_space<hbm>> -> memref<128x128xf32, #tpu.memory_space<hbm>>
      tpu.wait_dma2 semaphore(%run_scoped3A : memref<!tpu.dma_semaphore, #tpu.memory_space<semaphore_mem>>) src(%arg8 : memref<128x128xf32, #tpu.memory_space<vmem>>) dst(%dma_wait3A_67 : memref<128x128xf32, #tpu.memory_space<hbm>>)
      tpu.yield
    }) : () -> ()
    %mul3A_54 = arith.constant 640 : i32
    %mul3A_55 = arith.muli %arg1, %mul3A_54 : i32
    %add3A_56 = arith.constant 512 : i32
    %add3A_57 = arith.addi %mul3A_55, %add3A_56 : i32
    "tpu.region"() ({
      %run_scoped3A = tpu.sem_alloc : memref<!tpu.dma_semaphore, #tpu.memory_space<semaphore_mem>>
      %dma_start3A = arith.constant 0 : i32
      %dma_start3A_58 = tpu.memref_slice %arg10[%add3A_57, %dma_start3A] : memref<10240x128xf32, #tpu.memory_space<vmem_shared>> -> memref<128x128xf32, #tpu.memory_space<vmem_shared>>
      %dma_start3A_59 = arith.constant 0 : i32
      %dma_start3A_60 = tpu.memref_slice %arg10[%add3A_57, %dma_start3A_59] : memref<10240x128xf32, #tpu.memory_space<vmem_shared>> -> memref<128x128xf32, #tpu.memory_space<vmem_shared>>
      tpu.enqueue_dma source(%dma_start3A_60 : memref<128x128xf32, #tpu.memory_space<vmem_shared>>) target(%arg8 : memref<128x128xf32, #tpu.memory_space<vmem>>) target_semaphore(%run_scoped3A : memref<!tpu.dma_semaphore, #tpu.memory_space<semaphore_mem>>)
      %dma_wait3A = arith.constant 0 : i32
      %dma_wait3A_61 = tpu.memref_slice %arg10[%add3A_57, %dma_wait3A] : memref<10240x128xf32, #tpu.memory_space<vmem_shared>> -> memref<128x128xf32, #tpu.memory_space<vmem_shared>>
      %dma_wait3A_62 = arith.constant 0 : i32
      %dma_wait3A_63 = tpu.memref_slice %arg10[%add3A_57, %dma_wait3A_62] : memref<10240x128xf32, #tpu.memory_space<vmem_shared>> -> memref<128x128xf32, #tpu.memory_space<vmem_shared>>
      tpu.wait_dma2 semaphore(%run_scoped3A : memref<!tpu.dma_semaphore, #tpu.memory_space<semaphore_mem>>) src(%dma_wait3A_63 : memref<128x128xf32, #tpu.memory_space<vmem_shared>>) dst(%arg8 : memref<128x128xf32, #tpu.memory_space<vmem>>)
      tpu.yield
    }) : () -> ()
    "tpu.region"() ({
      %run_scoped3A = tpu.sem_alloc : memref<!tpu.dma_semaphore, #tpu.memory_space<semaphore_mem>>
      %dma_start3A = arith.constant 0 : i32
      %dma_start3A_58 = tpu.memref_slice %arg5[%arg0, %add3A_57, %dma_start3A] : memref<2x10240x128xf32, #tpu.memory_space<hbm>> -> memref<1x128x128xf32, #tpu.memory_space<hbm>>
      %dma_start3A_59 = tpu.memref_squeeze %dma_start3A_58 : memref<1x128x128xf32, #tpu.memory_space<hbm>> -> memref<128x128xf32, #tpu.memory_space<hbm>>
      %dma_start3A_60 = arith.constant 0 : i32
      %dma_start3A_61 = tpu.memref_slice %arg5[%arg0, %add3A_57, %dma_start3A_60] : memref<2x10240x128xf32, #tpu.memory_space<hbm>> -> memref<1x128x128xf32, #tpu.memory_space<hbm>>
      %dma_start3A_62 = tpu.memref_squeeze %dma_start3A_61 : memref<1x128x128xf32, #tpu.memory_space<hbm>> -> memref<128x128xf32, #tpu.memory_space<hbm>>
      tpu.enqueue_dma source(%arg8 : memref<128x128xf32, #tpu.memory_space<vmem>>) target(%dma_start3A_62 : memref<128x128xf32, #tpu.memory_space<hbm>>) target_semaphore(%run_scoped3A : memref<!tpu.dma_semaphore, #tpu.memory_space<semaphore_mem>>)
      %dma_wait3A = arith.constant 0 : i32
      %dma_wait3A_63 = tpu.memref_slice %arg5[%arg0, %add3A_57, %dma_wait3A] : memref<2x10240x128xf32, #tpu.memory_space<hbm>> -> memref<1x128x128xf32, #tpu.memory_space<hbm>>
      %dma_wait3A_64 = tpu.memref_squeeze %dma_wait3A_63 : memref<1x128x128xf32, #tpu.memory_space<hbm>> -> memref<128x128xf32, #tpu.memory_space<hbm>>
      %dma_wait3A_65 = arith.constant 0 : i32
      %dma_wait3A_66 = tpu.memref_slice %arg5[%arg0, %add3A_57, %dma_wait3A_65] : memref<2x10240x128xf32, #tpu.memory_space<hbm>> -> memref<1x128x128xf32, #tpu.memory_space<hbm>>
      %dma_wait3A_67 = tpu.memref_squeeze %dma_wait3A_66 : memref<1x128x128xf32, #tpu.memory_space<hbm>> -> memref<128x128xf32, #tpu.memory_space<hbm>>
      tpu.wait_dma2 semaphore(%run_scoped3A : memref<!tpu.dma_semaphore, #tpu.memory_space<semaphore_mem>>) src(%arg8 : memref<128x128xf32, #tpu.memory_space<vmem>>) dst(%dma_wait3A_67 : memref<128x128xf32, #tpu.memory_space<hbm>>)
      tpu.yield
    }) : () -> ()
    return
  }
}

module attributes {stable_mosaic.version = 14 : i64} {
  func.func @_dinv_g1_body(%arg0: memref<2x10240x1xf32, #tpu.memory_space<vmem>>, %arg1: memref<10000x128xf32, #tpu.memory_space<vmem>>, %arg2: memref<128x128xf32, #tpu.memory_space<vmem>>, %arg3: memref<10240x1xf32, #tpu.memory_space<vmem>>, %arg4: memref<10000x128xf32, #tpu.memory_space<vmem>>) attributes {dimension_semantics = [], scalar_prefetch = 0 : i64, scratch_operands = 0 : i64, tpu.core_type = #tpu.core_type<tc>} {
    %get3A = arith.constant 0 : index
    %get3A_0 = arith.constant 0 : index
    %get3A_1 = arith.constant 0 : index
    %get3A_2 = vector.load %arg0[%get3A, %get3A_0, %get3A_1] : memref<2x10240x1xf32, #tpu.memory_space<vmem>>, vector<1x10240x1xf32>
    %get3A_3 = vector.shape_cast %get3A_2 : vector<1x10240x1xf32> to vector<10240x1xf32>
    %get3A_4 = arith.constant 1 : index
    %get3A_5 = arith.constant 0 : index
    %get3A_6 = arith.constant 0 : index
    %get3A_7 = vector.load %arg0[%get3A_4, %get3A_5, %get3A_6] : memref<2x10240x1xf32, #tpu.memory_space<vmem>>, vector<1x10240x1xf32>
    %get3A_8 = vector.shape_cast %get3A_7 : vector<1x10240x1xf32> to vector<10240x1xf32>
    %add3A = arith.addf %get3A_3, %get3A_8 : vector<10240x1xf32>
    %add3A_9 = arith.constant 1.000000e+00 : f32
    %add3A_10 = vector.broadcast %add3A_9 : f32 to vector<10240x1xf32>
    %add3A_11 = arith.addf %add3A, %add3A_10 : vector<10240x1xf32>
    %rsqrt3A = math.rsqrt %add3A_11 : vector<10240x1xf32>
    %swap3A = arith.constant 0 : index
    %swap3A_12 = arith.constant 0 : index
    %swap3A_13 = vector.load %arg3[%swap3A, %swap3A_12] : memref<10240x1xf32, #tpu.memory_space<vmem>>, vector<10240x1xf32>
    tpu.vector_store %arg3[%swap3A, %swap3A_12], %rsqrt3A {strides = array<i32>} : memref<10240x1xf32, #tpu.memory_space<vmem>>, vector<10240x1xf32>,
    %get3A_14 = arith.constant 0 : index
    %get3A_15 = arith.constant 0 : index
    %get3A_16 = vector.load %arg1[%get3A_14, %get3A_15] : memref<10000x128xf32, #tpu.memory_space<vmem>>, vector<10000x128xf32>
    %get3A_17 = arith.constant 0 : index
    %get3A_18 = arith.constant 0 : index
    %get3A_19 = vector.load %arg2[%get3A_17, %get3A_18] : memref<128x128xf32, #tpu.memory_space<vmem>>, vector<128x128xf32>
    %dot_general3A = arith.constant dense<0.000000e+00> : vector<10000x128xf32>
    %dot_general3A_20 = tpu.matmul %get3A_16, %get3A_19, %dot_general3A {dimension_numbers = #tpu.dot_dimension_numbers<[1], [1], [0], [0], [0, 0, 1, 0], [], []>, transpose_lhs_hint = false} : vector<10000x128xf32>, vector<128x128xf32>, vector<10000x128xf32> -> vector<10000x128xf32>
    %slice3A = vector.extract_strided_slice %rsqrt3A {offsets = [0, 0], sizes = [10000, 1], strides = [1, 1]} : vector<10240x1xf32> to vector<10000x1xf32>
    %mul3A = vector.broadcast %slice3A : vector<10000x1xf32> to vector<10000x128xf32>
    %mul3A_21 = arith.mulf %dot_general3A_20, %mul3A : vector<10000x128xf32>
    %swap3A_22 = arith.constant 0 : index
    %swap3A_23 = arith.constant 0 : index
    %swap3A_24 = vector.load %arg4[%swap3A_22, %swap3A_23] : memref<10000x128xf32, #tpu.memory_space<vmem>>, vector<10000x128xf32>
    tpu.vector_store %arg4[%swap3A_22, %swap3A_23], %mul3A_21 {strides = array<i32>} : memref<10000x128xf32, #tpu.memory_space<vmem>>, vector<10000x128xf32>,
    return
  }
}

module attributes {stable_mosaic.version = 14 : i64} {
  func.func @_mid_body(%arg0: memref<2x10240x128xf32, #tpu.memory_space<vmem>>, %arg1: memref<10000x128xf32, #tpu.memory_space<vmem>>, %arg2: memref<10240x1xf32, #tpu.memory_space<vmem>>, %arg3: memref<1x128xf32, #tpu.memory_space<vmem>>, %arg4: memref<128x128xf32, #tpu.memory_space<vmem>>, %arg5: memref<10000x128xf32, #tpu.memory_space<vmem>>) attributes {dimension_semantics = [], scalar_prefetch = 0 : i64, scratch_operands = 0 : i64, tpu.core_type = #tpu.core_type<tc>} {
    %get3A = arith.constant 0 : index
    %get3A_0 = arith.constant 0 : index
    %get3A_1 = vector.load %arg2[%get3A, %get3A_0] : memref<10240x1xf32, #tpu.memory_space<vmem>>, vector<10240x1xf32>
    %slice3A = vector.extract_strided_slice %get3A_1 {offsets = [0, 0], sizes = [10000, 1], strides = [1, 1]} : vector<10240x1xf32> to vector<10000x1xf32>
    %get3A_2 = arith.constant 0 : index
    %get3A_3 = arith.constant 0 : index
    %get3A_4 = arith.constant 0 : index
    %get3A_5 = vector.load %arg0[%get3A_2, %get3A_3, %get3A_4] : memref<2x10240x128xf32, #tpu.memory_space<vmem>>, vector<1x10000x128xf32>
    %get3A_6 = vector.shape_cast %get3A_5 : vector<1x10000x128xf32> to vector<10000x128xf32>
    %get3A_7 = arith.constant 1 : index
    %get3A_8 = arith.constant 0 : index
    %get3A_9 = arith.constant 0 : index
    %get3A_10 = vector.load %arg0[%get3A_7, %get3A_8, %get3A_9] : memref<2x10240x128xf32, #tpu.memory_space<vmem>>, vector<1x10000x128xf32>
    %get3A_11 = vector.shape_cast %get3A_10 : vector<1x10000x128xf32> to vector<10000x128xf32>
    %add3A = arith.addf %get3A_6, %get3A_11 : vector<10000x128xf32>
    %get3A_12 = arith.constant 0 : index
    %get3A_13 = arith.constant 0 : index
    %get3A_14 = vector.load %arg1[%get3A_12, %get3A_13] : memref<10000x128xf32, #tpu.memory_space<vmem>>, vector<10000x128xf32>
    %add3A_15 = arith.addf %add3A, %get3A_14 : vector<10000x128xf32>
    %mul3A = vector.broadcast %slice3A : vector<10000x1xf32> to vector<10000x128xf32>
    %mul3A_16 = arith.mulf %add3A_15, %mul3A : vector<10000x128xf32>
    %get3A_17 = arith.constant 0 : index
    %get3A_18 = arith.constant 0 : index
    %get3A_19 = vector.load %arg3[%get3A_17, %get3A_18] : memref<1x128xf32, #tpu.memory_space<vmem>>, vector<1x128xf32>
    %add3A_20 = vector.broadcast %get3A_19 : vector<1x128xf32> to vector<10000x128xf32>
    %add3A_21 = arith.addf %mul3A_16, %add3A_20 : vector<10000x128xf32>
    %max3A = arith.constant 0.000000e+00 : f32
    %max3A_22 = vector.broadcast %max3A : f32 to vector<10000x128xf32>
    %max3A_23 = arith.maximumf %add3A_21, %max3A_22 : vector<10000x128xf32>
    %get3A_24 = arith.constant 0 : index
    %get3A_25 = arith.constant 0 : index
    %get3A_26 = vector.load %arg4[%get3A_24, %get3A_25] : memref<128x128xf32, #tpu.memory_space<vmem>>, vector<128x128xf32>
    %dot_general3A = arith.constant dense<0.000000e+00> : vector<10000x128xf32>
    %dot_general3A_27 = tpu.matmul %max3A_23, %get3A_26, %dot_general3A {dimension_numbers = #tpu.dot_dimension_numbers<[1], [1], [0], [0], [0, 0, 1, 0], [], []>, transpose_lhs_hint = false} : vector<10000x128xf32>, vector<128x128xf32>, vector<10000x128xf32> -> vector<10000x128xf32>
    %mul3A_28 = vector.broadcast %slice3A : vector<10000x1xf32> to vector<10000x128xf32>
    %mul3A_29 = arith.mulf %dot_general3A_27, %mul3A_28 : vector<10000x128xf32>
    %swap3A = arith.constant 0 : index
    %swap3A_30 = arith.constant 0 : index
    %swap3A_31 = vector.load %arg5[%swap3A, %swap3A_30] : memref<10000x128xf32, #tpu.memory_space<vmem>>, vector<10000x128xf32>
    tpu.vector_store %arg5[%swap3A, %swap3A_30], %mul3A_29 {strides = array<i32>} : memref<10000x128xf32, #tpu.memory_space<vmem>>, vector<10000x128xf32>,
    return
  }
}

module attributes {stable_mosaic.version = 14 : i64} {
  func.func @_final_body(%arg0: memref<2x10240x128xf32, #tpu.memory_space<vmem>>, %arg1: memref<10000x128xf32, #tpu.memory_space<vmem>>, %arg2: memref<10240x1xf32, #tpu.memory_space<vmem>>, %arg3: memref<1x128xf32, #tpu.memory_space<vmem>>, %arg4: memref<1x10000xi32, #tpu.memory_space<vmem>>, %arg5: memref<128x128xf32, #tpu.memory_space<vmem>>, %arg6: memref<1x128xf32, #tpu.memory_space<vmem>>, %arg7: memref<64x128xf32, #tpu.memory_space<vmem>>) attributes {dimension_semantics = [], scalar_prefetch = 0 : i64, scratch_operands = 0 : i64, tpu.core_type = #tpu.core_type<tc>} {
    %get3A = arith.constant 0 : index
    %get3A_0 = arith.constant 0 : index
    %get3A_1 = vector.load %arg2[%get3A, %get3A_0] : memref<10240x1xf32, #tpu.memory_space<vmem>>, vector<10240x1xf32>
    %slice3A = vector.extract_strided_slice %get3A_1 {offsets = [0, 0], sizes = [10000, 1], strides = [1, 1]} : vector<10240x1xf32> to vector<10000x1xf32>
    %get3A_2 = arith.constant 0 : index
    %get3A_3 = arith.constant 0 : index
    %get3A_4 = arith.constant 0 : index
    %get3A_5 = vector.load %arg0[%get3A_2, %get3A_3, %get3A_4] : memref<2x10240x128xf32, #tpu.memory_space<vmem>>, vector<1x10000x128xf32>
    %get3A_6 = vector.shape_cast %get3A_5 : vector<1x10000x128xf32> to vector<10000x128xf32>
    %get3A_7 = arith.constant 1 : index
    %get3A_8 = arith.constant 0 : index
    %get3A_9 = arith.constant 0 : index
    %get3A_10 = vector.load %arg0[%get3A_7, %get3A_8, %get3A_9] : memref<2x10240x128xf32, #tpu.memory_space<vmem>>, vector<1x10000x128xf32>
    %get3A_11 = vector.shape_cast %get3A_10 : vector<1x10000x128xf32> to vector<10000x128xf32>
    %add3A = arith.addf %get3A_6, %get3A_11 : vector<10000x128xf32>
    %get3A_12 = arith.constant 0 : index
    %get3A_13 = arith.constant 0 : index
    %get3A_14 = vector.load %arg1[%get3A_12, %get3A_13] : memref<10000x128xf32, #tpu.memory_space<vmem>>, vector<10000x128xf32>
    %add3A_15 = arith.addf %add3A, %get3A_14 : vector<10000x128xf32>
    %mul3A = vector.broadcast %slice3A : vector<10000x1xf32> to vector<10000x128xf32>
    %mul3A_16 = arith.mulf %add3A_15, %mul3A : vector<10000x128xf32>
    %get3A_17 = arith.constant 0 : index
    %get3A_18 = arith.constant 0 : index
    %get3A_19 = vector.load %arg3[%get3A_17, %get3A_18] : memref<1x128xf32, #tpu.memory_space<vmem>>, vector<1x128xf32>
    %add3A_20 = vector.broadcast %get3A_19 : vector<1x128xf32> to vector<10000x128xf32>
    %add3A_21 = arith.addf %mul3A_16, %add3A_20 : vector<10000x128xf32>
    %max3A = arith.constant 0.000000e+00 : f32
    %max3A_22 = vector.broadcast %max3A : f32 to vector<10000x128xf32>
    %max3A_23 = arith.maximumf %add3A_21, %max3A_22 : vector<10000x128xf32>
    %iota3A = tpu.iota {dimensions = array<i32: 0>} : vector<64x10000xi32>
    %get3A_24 = arith.constant 0 : index
    %get3A_25 = arith.constant 0 : index
    %get3A_26 = vector.load %arg4[%get3A_24, %get3A_25] : memref<1x10000xi32, #tpu.memory_space<vmem>>, vector<1x10000xi32>
    %eq3A = vector.broadcast %get3A_26 : vector<1x10000xi32> to vector<64x10000xi32>
    %eq3A_27 = arith.cmpi eq, %iota3A, %eq3A : vector<64x10000xi32>
    %convert_element_type3A = arith.extui %eq3A_27 : vector<64x10000xi1> to vector<64x10000xi32>
    %convert_element_type3A_28 = arith.sitofp %convert_element_type3A : vector<64x10000xi32> to vector<64x10000xf32>
    %dot_general3A = arith.constant dense<0.000000e+00> : vector<64x128xf32>
    %dot_general3A_29 = tpu.matmul %convert_element_type3A_28, %max3A_23, %dot_general3A {dimension_numbers = #tpu.dot_dimension_numbers<[1], [0], [0], [1], [0, 0, 1, 1], [], []>, transpose_lhs_hint = false} : vector<64x10000xf32>, vector<10000x128xf32>, vector<64x128xf32> -> vector<64x128xf32>
    %reduce_sum3A = arith.constant dense<0.000000e+00> : vector<64xf32>
    %reduce_sum3A_30 = vector.multi_reduction <add>, %convert_element_type3A_28, %reduce_sum3A [1] : vector<64x10000xf32> to vector<64xf32>
    %broadcast_in_dim3A = vector.shape_cast %reduce_sum3A_30 : vector<64xf32> to vector<64x1xf32>
    %max3A_31 = arith.constant 1.000000e+00 : f32
    %max3A_32 = vector.broadcast %max3A_31 : f32 to vector<64x1xf32>
    %max3A_33 = arith.maximumf %broadcast_in_dim3A, %max3A_32 : vector<64x1xf32>
    %div3A = vector.broadcast %max3A_33 : vector<64x1xf32> to vector<64x128xf32>
    %div3A_34 = arith.divf %dot_general3A_29, %div3A : vector<64x128xf32>
    %get3A_35 = arith.constant 0 : index
    %get3A_36 = arith.constant 0 : index
    %get3A_37 = vector.load %arg5[%get3A_35, %get3A_36] : memref<128x128xf32, #tpu.memory_space<vmem>>, vector<128x128xf32>
    %dot_general3A_38 = arith.constant dense<0.000000e+00> : vector<64x128xf32>
    %dot_general3A_39 = tpu.matmul %div3A_34, %get3A_37, %dot_general3A_38 {dimension_numbers = #tpu.dot_dimension_numbers<[1], [1], [0], [0], [0, 0, 1, 0], [], []>, transpose_lhs_hint = false} : vector<64x128xf32>, vector<128x128xf32>, vector<64x128xf32> -> vector<64x128xf32>
    %get3A_40 = arith.constant 0 : index
    %get3A_41 = arith.constant 0 : index
    %get3A_42 = vector.load %arg6[%get3A_40, %get3A_41] : memref<1x128xf32, #tpu.memory_space<vmem>>, vector<1x128xf32>
    %add3A_43 = vector.broadcast %get3A_42 : vector<1x128xf32> to vector<64x128xf32>
    %add3A_44 = arith.addf %dot_general3A_39, %add3A_43 : vector<64x128xf32>
    %max3A_45 = arith.constant 0.000000e+00 : f32
    %max3A_46 = vector.broadcast %max3A_45 : f32 to vector<64x128xf32>
    %max3A_47 = arith.maximumf %add3A_44, %max3A_46 : vector<64x128xf32>
    %swap3A = arith.constant 0 : index
    %swap3A_48 = arith.constant 0 : index
    %swap3A_49 = vector.load %arg7[%swap3A, %swap3A_48] : memref<64x128xf32, #tpu.memory_space<vmem>>, vector<64x128xf32>
    tpu.vector_store %arg7[%swap3A, %swap3A_48], %max3A_47 {strides = array<i32>} : memref<64x128xf32, #tpu.memory_space<vmem>>, vector<64x128xf32>,
    return
  }
}

</mosaic_0001>

<sc_bundles>
// kernel: kernel.11.cloned.1.call-start
scs
__scs_entry_jumppad:
0x0: {  	(pc) =	sbr.rel $0x88, $3  }
0x1: {  	(tag) =	ssettag $0x0;
	lr =	simm.s32 $0x1  }
0x2: {  	[smem:$0x3F98] =	sst lr;
	_ =	strace $0xD0000000  }
0x3: {  	_ = 	snop  }
0x4: {  	_ = 	snop  }
0x5: {  	_ = 	snop  }
0x6: {  	_ = 	snop  }
0x7: {  	_ = 	snop  }
__scs_overlays_trampoline_lowered:
0x8: {  	[smem:$0x3FA7] =	sst s0  }
0x9: {  	[smem:$0x3FA8] =	sst s1  }
0xa: {  	[smem:$0x3FA9] =	sst s2  }
0xb: {  	[smem:$0x3FAA] =	sst s3  }
0xc: {  	[smem:$0x3FAB] =	sst s4  }
0xd: {  	[smem:$0x3FAC] =	sst s5  }
0xe: {  	[smem:$0x3FAD] =	sst s6  }
0xf: {  	[smem:$0x3FAE] =	sst s7  }
0x10: {  	[smem:$0x3FAF] =	sst s8  }
0x11: {  	[smem:$0x3FB0] =	sst s9;
	s0 =	simm.s32 @!p0 $0x0  }
0x12: {  	s1 =	sld [smem:$0x3F96];
	s0 =	simm.s32 @p0 $0x1  }
0x13: {  	[smem:$0x3FB1] =	sst s0;
	s0 =	simm.s32 @!p1 $0x0  }
0x14: {  	s2 =	sld [smem:$0x3F95];
	s0 =	simm.s32 @p1 $0x1  }
0x15: {  	[smem:$0x3FB2] =	sst s0;
	s0 =	simm.s32 @!p2 $0x0  }
0x16: {  	s3 =	sld [smem:$0x3FDB];
	s0 =	simm.s32 @p2 $0x1  }
0x17: {  	s4 =	simm.s32 $0x1BF5;
	[smem:$0x3FB4] =	sst s0  }
0x18: {  	s0 =	sld [smem:$0x3F97];
	_ =	swait.ge [sflag:s4], $0x0  }
0x19: {  	s7 =	sld [smem:$0x3F98]  }
0x1a: {  	s8 =	sadd.s32 $0xFFFFE003, lr  }
0x1b: {  	s9 =	sadd.s32 $0xFFFFFEF7, lr;
	s5 =	simm.s32 $0xFFFFFFFF;
	p2 =	slt.u32 s8, $0xFFFFF086  }
0x1c: {  	p1 =	slt.u32 s9, $0xF7A;
	s5 =	simm.s32 @!p2 $0x0  }
0x1d: {  	s5 =	simm.s32 @p1 $0x1;
	p0 =	seq.s32 s7, s2  }
0x1e: {  	s7 =	smul.u32 @!p0 $0xF7A, s2;
	p2 =	seq.s32 @!p0 s5, $0x0  }
0x1f: {  	s9 =	smul.u32 $0xF7A, s1;
	s8 =	simm.s32 @!p0 $0x1BF5;
	p2 =	por !p2, p0  }
0x20: {  	[sflag:s8] =	ssyncset.s32 @!p0 $0xFFFFF086;
	s6 =	sadd.s32 @!p0 s3, s7;
	s7 =	simm.s32 @!p0 $0x108  }
0x21: {  	s3 =	sadd.s32 s3, s9;
	s6 =	sadd.s32 @!p0 $0x88, s6;
	s7 =	simm.s32 @p2 $0x1082  }
0x22: {  	[simem:s7], [sflag:s8] =	dma.local @!p0 [hbm:s6], $0xF7A  }
0x23: {  	s9 =	sor.u32 $0xD0000000, s2;
	s6 =	simm.s32 $0x108;
	_ =	swait.ge @!p0 [sflag:s8], $0x0  }
0x24: {  	s3 =	sadd.s32 $0x88, s3;
	s6 =	simm.s32 @!p1 $0x1082;
	[sflag:s4] =	ssyncset.s32 $0xFFFFF086  }
0x25: {  	[simem:s6], [sflag:s4] =	dma.local [hbm:s3], $0xF7A  }
0x26: {  	[smem:$0x3F98] =	sst s1;
	(tag) =	ssettag s2;
	_ =	strace s9  }
0x27: {  	s1 =	sld [smem:$0x3FA8]  }
0x28: {  	s2 =	sld [smem:$0x3FA9]  }
0x29: {  	s4 =	sld [smem:$0x3FAB]  }
0x2a: {  	p0 =	seq.s32 s5, $0x0;
	s5 =	sld [smem:$0x3FAC]  }
0x2b: {  	s6 =	sld [smem:$0x3FAD]  }
0x2c: {  	s7 =	sld [smem:$0x3FAE]  }
0x2d: {  	s3 =	simm.s32 $0x108;
	s8 =	sld [smem:$0x3FAF]  }
0x2e: {  	s3 =	simm.s32 @!p0 $0x1082;
	s9 =	sld [smem:$0x3FB0]  }
0x2f: {  	lr =	sadd.s32 s0, s3;
	s0 =	sld [smem:$0x3FA7]  }
0x30: {  	s3 =	sld [smem:$0x3FAA]  }
0x31: {  	[smem:$0x3FB3] =	sst s10  }
0x32: {  	s10 =	sld [smem:$0x3FB1];
	_ =	sdelay $0x3  }
0x33: {  	p0 =	seq.s32 s10, $0x1;
	s10 =	sld [smem:$0x3FB3];
	_ =	sdelay $0x3  }
0x34: {  	[smem:$0x3FB3] =	sst s10  }
0x35: {  	s10 =	sld [smem:$0x3FB2];
	_ =	sdelay $0x3  }
0x36: {  	p1 =	seq.s32 s10, $0x1;
	s10 =	sld [smem:$0x3FB3];
	_ =	sdelay $0x3  }
0x37: {  	[smem:$0x3FB3] =	sst s10  }
0x38: {  	s10 =	sld [smem:$0x3FB4]  }
0x39: {  	_ = 	snop;
	(pc) =	sbr.ind lr, $3  }
0x3a: {  	_ = 	snop  }
0x3b: {  	_ = 	snop  }
0x3c: {  	p2 =	seq.s32 s10, $0x1;
	s10 =	sld [smem:$0x3FB3]  }
0x3d: {  	_ =	shalt  }
0x3e: {  	_ =	shalt  }
0x3f: {  	_ =	shalt  }
0x40: {  	_ =	shalt  }
0x41: {  	_ =	shalt  }
0x42: {  	_ =	shalt  }
0x43: {  	_ =	shalt  }
0x44: {  	_ =	shalt  }
0x45: {  	_ =	shalt  }
0x46: {  	_ =	shalt  }
0x47: {  	_ =	shalt  }
0x48: {  	_ =	shalt  }
0x49: {  	_ =	shalt  }
0x4a: {  	_ =	shalt  }
0x4b: {  	_ =	shalt  }
0x4c: {  	_ =	shalt  }
0x4d: {  	_ =	shalt  }
0x4e: {  	_ =	shalt  }
0x4f: {  	_ =	shalt  }
0x50: {  	_ =	shalt  }
0x51: {  	_ =	shalt  }
0x52: {  	_ =	shalt  }
0x53: {  	_ =	shalt  }
0x54: {  	_ =	shalt  }
0x55: {  	_ =	shalt  }
0x56: {  	_ =	shalt  }
0x57: {  	_ =	shalt  }
0x58: {  	_ =	shalt  }
0x59: {  	_ =	shalt  }
0x5a: {  	_ =	shalt  }
0x5b: {  	_ =	shalt  }
0x5c: {  	_ =	shalt  }
0x5d: {  	_ =	shalt  }
0x5e: {  	_ =	shalt  }
0x5f: {  	_ =	shalt  }
0x60: {  	_ =	shalt  }
0x61: {  	_ =	shalt  }
0x62: {  	_ =	shalt  }
0x63: {  	_ =	shalt  }
0x64: {  	_ =	shalt  }
0x65: {  	_ =	shalt  }
0x66: {  	_ =	shalt  }
0x67: {  	_ =	shalt  }
0x68: {  	_ =	shalt  }
0x69: {  	_ =	shalt  }
0x6a: {  	_ =	shalt  }
0x6b: {  	_ =	shalt  }
0x6c: {  	_ =	shalt  }
0x6d: {  	_ =	shalt  }
0x6e: {  	_ =	shalt  }
0x6f: {  	_ =	shalt  }
0x70: {  	_ =	shalt  }
0x71: {  	_ =	shalt  }
0x72: {  	_ =	shalt  }
0x73: {  	_ =	shalt  }
0x74: {  	_ =	shalt  }
0x75: {  	_ =	shalt  }
0x76: {  	_ =	shalt  }
0x77: {  	_ =	shalt  }
0x78: {  	_ =	shalt  }
0x79: {  	_ =	shalt  }
0x7a: {  	_ =	shalt  }
0x7b: {  	_ =	shalt  }
0x7c: {  	_ =	shalt  }
0x7d: {  	_ =	shalt  }
0x7e: {  	_ =	shalt  }
0x7f: {  	_ =	shalt  }
0x80: {  	_ =	shalt  }
0x81: {  	_ =	shalt  }
0x82: {  	_ =	shalt  }
0x83: {  	_ =	shalt  }
0x84: {  	_ =	shalt  }
0x85: {  	_ =	shalt  }
0x86: {  	_ =	shalt  }
0x87: {  	_ =	shalt  }
.Lfunc_end0:
.L_simem_size_0:
called_computation.1_lowered:
.L_overlay_start_0:
0x88: {  	s2 =	sld [smem:$0x3FD9]  }
0x89: {  	s3 =	sld [smem:$0x3FFE];
	_ =	sdelay $0x1  }
0x8a: {  	s1 =	srdreg.scid  }
0x8b: {  	s0 =	sand.u32 $0x1, s1  }
0x8c: {  	s16 =	sshll.u32 s0, $0xA;
	s2 =	sadd.s32 s3, s2  }
0x8d: {  	s2 =	sadd.s32 s2, s16  }
0x8e: {  	[smem:$0x3FBF] =	sst s2  }
0x8f: {  	_ = 	snop  }
0x90: {  	(tm) =	ssettm $0x1  }
0x91: {  	s17 =	sld [smem:$0x3FFB];
	_ =	sdelay $0x3  }
0x92: {  	_ =	strace s17  }
0x93: {  	s2 =	sld [smem:$0x3FFC];
	_ =	sdelay $0x3  }
0x94: {  	_ =	strace s2  }
0x95: {  	s2 =	sld [smem:$0x3FFD];
	_ =	sdelay $0x3  }
0x96: {  	_ =	strace s2  }
0x97: {  	_ =	strace $0x8FFFFFFF  }
0x98: {  	s18 =	sld [smem:$0x3FDB];
	_ =	sdelay $0x1  }
0x99: {  	s19 =	simm.s32 $_scs_section_size  }
0x9a: {  	s4 =	simm.s32 $_size__tile_overlayer_lowered;
	s5 =	simm.s32 $_tile_overlayer_lowered  }
0x9b: {  	s22 =	simm.s32 $0x1BFF;
	s21 =	sshll.u32 s5, $0x1;
	s2 =	sadd.s32 s19, s18  }
0x9c: {  	s6 =	simm.s32 $0x0;
	s20 =	sshll.u32 s4, $0x1;
	s4 =	sadd.s32 s21, s2  }
0x9d: {  	[timem:s6], [sflag:s22] =	dma.local [hbm:s4], s20  }
0x9e: {  	_ =	swait.ge [sflag:s22], s20  }
0x9f: {  	s3 =	ssub.s32 $0x0, s20;
	[sflag:s22] =	ssyncset.done $0x0  }
0xa0: {  	[sflag:s22] =	ssyncadd.s32 s3;
	_ =	sdelay $0x1  }
0xa1: {  	s23 =	simm.s32 $0x1B8B  }
0xa2: {  	_ =	swait.ge [sflag:s23], $0x1  }
0xa3: {  	[sflag:s23] =	ssyncset.done $0x0  }
0xa4: {  	s25 =	simm.s32 $0x1B8E;
	s24 =	sld [smem:$0x3FFE];
	[sflag:s23] =	ssyncadd.s32 $0xFFFFFFFF  }
0xa5: {  	s26 =	simm.s32 $execute0_lowered;
	[smem:$0x3FD2] =	sst s25  }
0xa6: {  	s4 =	sshll.u32 s26, $0x1;
	_ =	strace $0x80000049;
	[dreg:$0x1] =	wrdreg $0xFFFFFFFF  }
0xa7: {  	s28 =	simm.s32 $_size_execute0_lowered;
	s2 =	sadd.s32 s2, s4;
	[dreg:$0x0] =	wrdreg $0x0  }
0xa8: {  	s4 =	sshll.u32 s28, $0x1;
	[dreg:$0x2] =	wrdreg s2  }
0xa9: {  	[dreg:$0x3] =	wrdreg s4  }
0xaa: {  	[dreg:$0x4] =	wrdreg $0xC0  }
0xab: {  	_ =	task [dreg:s6], $0x5FFFF  }
0xac: {  	[dreg:$0x1] =	wrdreg $0xFFFFFFFF  }
0xad: {  	[dreg:$0x0] =	wrdreg $0x60  }
0xae: {  	[dreg:$0x2] =	wrdreg s24  }
0xaf: {  	[dreg:$0x3] =	wrdreg $0x81000  }
0xb0: {  	[dreg:$0x4] =	wrdreg $0x9  }
0xb1: {  	_ =	task.clear_ibuf [dreg:s6], $0x5FFFF;
	_ =	strace $0x90000049  }
0xb2: {  	s29 =	simm.s32 $0x9;
	_ =	strace $0x8000004B  }
0xb3: {  	_ =	swait.ge [sflag:s29], $0x1  }
0xb4: {  	[sflag:s29] =	ssyncadd.s32 $0xFFFFFFFF  }
0xb5: {  	_ =	strace $0x9000004B  }
0xb6: {  	_ =	sfence  }
0xb7: {  	s30 =	sld [smem:$0x0];
	_ =	sdelay $0x2  }
0xb8: {  	s31 =	sshll.u32 s1, $0xD;
	s1 =	sshrl.u32 s1, $0x2  }
0xb9: {  	s3 =	sand.u32 $0x4000, s31;
	s1 =	sadd.s32 s1, s30  }
0xba: {  	s0 =	sor.u32 s3, s0;
	s1 =	sshll.u32 s1, $0x11  }
0xbb: {  	s0 =	sor.u32 s1, s0  }
0xbc: {  	s0 =	sadd.s32 $0x8F2B, s0  }
0xbd: {  	[sflag:s0] =	ssyncadd.remote.s32 $0x1  }
0xbe: {  	_ =	sfence.sel $0xFFFF  }
0xbf: {  	[dreg:$0x0] =	wrdreg $0xFFFFFFFF;
	(pc) =	sbr.abs _section_cstart, $3  }
0xc0: {  	[dreg:$0x1] =	wrdreg $0xFFFFFFFF  }
0xc1: {  	_ =	task.clear_ibuf [dreg:s6], $0x2FFFF;
	_ =	strace $0x9FFFFFFF  }
0xc2: {  	(tm) =	ssettm $0x7FFFFFFF  }
0xc3: {  	_ =	shalt  }
tec
execute0_lowered:
.L_overlay_start_1:
0x0: {  	(tag) =	ssettag $0x1  }
0x1: {  	s5 =	rddreg [dreg:$0x0]  }
0x2: {  	s2 =	rddreg [dreg:$0x1]  }
0x3: {  	s0 =	rddreg [dreg:$0x2]  }
0x4: {  	s3 =	simm.s32 $0x0;
	s1 =	stileid.u32;
	s7 =	srdreg.scid  }
0x5: {  	s21 =	simm.s32 $0x100;
	s22 =	simm.s32 $0x0;
	s6 =	smul.u32 $0x9E0, s1  }
0x6: {  	[smem:$0x7FF] =	sst s3;
	s4 =	sadd.s32 $0x17200, s5;
	s24 =	smul.u32 $0x50000, s1  }
0x7: {  	s12 =	sand.u32 $0x1, s7;
	s9 =	smul.u32 $0x14000, s1;
	s15 =	sadd.s32 $0x3E400, s5  }
0x8: {  	_ =	strace $0x8000004A;
	s25 =	ssub.s32 $0x2, s12;
	s18 =	smul.u32 $0x140000, s12  }
0x9: {  	s28 =	smul.u32 $0x4F0, s12;
	s14 =	sadd.s32 s6, s5;
	s26 =	sshrl.u32 s25, $0x1  }
0xa: {  	s7 =	sshrl.u32 s24, $0x2;
	s10 =	sadd.s32 $0x4000, s9;
	s13 =	sadd.s32 $0x8000, s9  }
0xb: {  	s17 =	sadd.s32 $0xC000, s9;
	s19 =	sadd.s32 $0x10000, s9;
	s16 =	ssub.s32 s25, s26  }
0xc: {  	s5 =	sadd.s32 s7, s2;
	s6 =	sadd.s32 s10, s2;
	s7 =	sadd.s32 s13, s2  }
0xd: {  	s8 =	sadd.s32 s17, s2;
	s11 =	sadd.s32 s9, s18;
	s10 =	sadd.s32 s18, s10  }
0xe: {  	s9 =	sadd.s32 s19, s2;
	s13 =	sadd.s32 s18, s13;
	s17 =	sadd.s32 s18, s17  }
0xf: {  	s30 =	sadd.s32 s18, s19;
	s31 =	sadd.s32 s28, s14;
	s18 =	simm.s32 $0x4100  }
0x10: {  	s19 =	simm.s32 $0x1;
	s11 =	sshrl.u32 s11, $0x3;
	s20 =	sshrl.u32 s10, $0x3  }
0x11: {  	s13 =	sshrl.u32 s13, $0x3;
	s29 =	sshrl.u32 s17, $0x3;
	s17 =	sshrl.u32 s30, $0x3  }
0x12: {  	s10 =	sadd.s32 s15, s11;
	s11 =	sadd.s32 s15, s20;
	s12 =	sadd.s32 s15, s13  }
0x13: {  	s13 =	sadd.s32 s15, s29;
	s14 =	sadd.s32 s15, s17;
	s15 =	smax.u32 s16, $0x1  }
0x14: {  	v0 =	vimm.f32 $0.0e+00;
	s16 =	sadd.s32 $0x2C00, s31;
	s17 =	sadd.s32 $0xD400, s31;
	s20 =	simm.s32 $0x80  }
.LBB2_1:
0x15: {  	s23 =	simm.s32 $0x0;
	s24 =	simm.s32 $0x200  }
.LBB2_2:
0x16: {  	p0 =	sne.s32 s24, $0xFE00;
	[tilespmem:s23+$0x4170] =	vst v0  }
0x17: {  	[tilespmem:s23+$0x4100] =	vst v0  }
0x18: {  	[tilespmem:s23+$0x4110] =	vst v0  }
.Ltmp0:
0x19: {  	[tilespmem:s23+$0x4120] =	vst v0;
	(pc) =	sbr.rel @p0 .LBB2_2-.Ltmp0, $4  }
0x1a: {  	[tilespmem:s23+$0x4130] =	vst v0  }
0x1b: {  	[tilespmem:s23+$0x4140] =	vst v0  }
0x1c: {  	[tilespmem:s23+$0x4150] =	vst v0  }
0x1d: {  	[tilespmem:s23+$0x4160] =	vst v0;
	s23 =	sshra.s32 s24, $0x2;
	s24 =	sadd.s32 $0x200, s24  }
0x1e: {  	[tilespmem:s23+$0x4170] =	vst v0  }
0x1f: {  	[tilespmem:s23+$0x4100] =	vst v0  }
0x20: {  	[tilespmem:s23+$0x4110] =	vst v0  }
0x21: {  	[tilespmem:s23+$0x4120] =	vst v0  }
0x22: {  	[tilespmem:s23+$0x4130] =	vst v0  }
0x23: {  	[tilespmem:s23+$0x4140] =	vst v0  }
0x24: {  	[tilespmem:s23+$0x4150] =	vst v0  }
0x25: {  	[tilespmem:s23+$0x4160] =	vst v0  }
0x26: {  	[spmem:s5] =	stream.linear.scatter [tilespmem:s18], [sflag:$0x1], $0x4000, $0x38;
	[tilespmem:$0x1C100] =	vst v63  }
0x27: {  	_ =	swait.ge [sflag:s19], $0x4000  }
0x28: {  	[sflag:s19] =	ssyncset.done $0x0  }
0x29: {  	[sflag:s19] =	ssyncadd.s32 $0xFFFFC000  }
0x2a: {  	[spmem:s6] =	stream.linear.scatter [tilespmem:s18], [sflag:$0x1], $0x4000, $0x38;
	[tilespmem:$0x1C100] =	vst v63  }
0x2b: {  	_ =	swait.ge [sflag:s19], $0x4000  }
0x2c: {  	[sflag:s19] =	ssyncset.done $0x0  }
0x2d: {  	[sflag:s19] =	ssyncadd.s32 $0xFFFFC000  }
0x2e: {  	[spmem:s7] =	stream.linear.scatter [tilespmem:s18], [sflag:$0x1], $0x4000, $0x38;
	[tilespmem:$0x1C100] =	vst v63  }
0x2f: {  	_ =	swait.ge [sflag:s19], $0x4000  }
0x30: {  	[sflag:s19] =	ssyncset.done $0x0  }
0x31: {  	[sflag:s19] =	ssyncadd.s32 $0xFFFFC000  }
0x32: {  	[spmem:s8] =	stream.linear.scatter [tilespmem:s18], [sflag:$0x1], $0x4000, $0x38;
	[tilespmem:$0x1C100] =	vst v63  }
0x33: {  	_ =	swait.ge [sflag:s19], $0x4000  }
0x34: {  	[sflag:s19] =	ssyncset.done $0x0  }
0x35: {  	[sflag:s19] =	ssyncadd.s32 $0xFFFFC000  }
0x36: {  	[spmem:s9] =	stream.linear.scatter [tilespmem:s18], [sflag:$0x1], $0x4000, $0x38;
	[tilespmem:$0x1C100] =	vst v63  }
0x37: {  	_ =	swait.ge [sflag:s19], $0x4000  }
0x38: {  	[sflag:s19] =	ssyncset.done $0x0  }
0x39: {  	[sflag:s19] =	ssyncadd.s32 $0xFFFFC000  }
0x3a: {  	s30 =	sadd.s32 $0x0, s17;
	[bflag:$0x0] =	sbarrier.arrive $0xFFFF  }
0x3b: {  	[tilespmem:s3], [sflag:$0x1] =	stream.linear.gather [hbm4b:s30+s3], $0x80, $0x38;
	[tilespmem:$0x1C100] =	vst v63  }
0x3c: {  	_ =	swait.ge [sflag:s19], $0x80  }
0x3d: {  	[sflag:s19] =	ssyncset.done $0x0  }
0x3e: {  	s31 =	sadd.s32 $0x0, s16;
	[sflag:s19] =	ssyncadd.s32 $0xFFFFFF80  }
0x3f: {  	[tilespmem:s20], [sflag:$0x1] =	stream.linear.gather [hbm4b:s31+s3], $0x80, $0x38;
	[tilespmem:$0x1C100] =	vst v63  }
0x40: {  	_ =	swait.ge [sflag:s19], $0x80  }
0x41: {  	[sflag:s19] =	ssyncset.done $0x0  }
0x42: {  	[sflag:s19] =	ssyncadd.s32 $0xFFFFFF80  }
0x43: {  	[tilespmem:s21], [sflag:$0x1] =	stream.indirect.gather [hbm4b:s4+s20], $0x80, s3, s20, $0xb8;
	[tilespmem:$0x1C100] =	vst v63  }
0x44: {  	_ =	swait.ge [sflag:s19], $0x4000  }
0x45: {  	[sflag:s19] =	ssyncset.done $0x0  }
0x46: {  	[sflag:s19] =	ssyncadd.s32 $0xFFFFC000  }
0x47: {  	[spmem:s2] =	stream.indirect.scatter.add.f32 [tilespmem:s21], [sflag:$0x1], $0x80, s20, s20, $0xb8;
	[tilespmem:$0x1C100] =	vst v63  }
0x48: {  	_ =	swait.ge [sflag:s19], $0x4000  }
0x49: {  	s23 =	simm.s32 $0x10;
	s24 =	simm.s32 $0x20;
	[sflag:s19] =	ssyncset.done $0x0  }
.LBB2_4:
0x4a: {  	s25 =	sadd.s32 s23, s17  }
0x4b: {  	[sflag:s19] =	ssyncadd.s32 $0xFFFFC000;
	s26 =	smov.u32 s24;
	s28 =	sadd.s32 $0x10, s24  }
0x4c: {  	[tilespmem:s3], [sflag:$0x1] =	stream.linear.gather [hbm4b:s25+s3], $0x80, $0x38;
	[tilespmem:$0x1C100] =	vst v63  }
0x4d: {  	p0 =	sne.s32 s24, $0x4E0;
	_ =	swait.ge [sflag:s19], $0x80  }
0x4e: {  	[sflag:s19] =	ssyncset.done $0x0  }
0x4f: {  	s24 =	sadd.s32 s23, s16;
	s23 =	smov.u32 s26;
	[sflag:s19] =	ssyncadd.s32 $0xFFFFFF80  }
0x50: {  	[tilespmem:s20], [sflag:$0x1] =	stream.linear.gather [hbm4b:s24+s3], $0x80, $0x38;
	[tilespmem:$0x1C100] =	vst v63  }
0x51: {  	_ =	swait.ge [sflag:s19], $0x80  }
0x52: {  	[sflag:s19] =	ssyncset.done $0x0  }
0x53: {  	[sflag:s19] =	ssyncadd.s32 $0xFFFFFF80  }
0x54: {  	[tilespmem:s21], [sflag:$0x1] =	stream.indirect.gather [hbm4b:s4+s20], $0x80, s3, s20, $0xb8;
	[tilespmem:$0x1C100] =	vst v63  }
0x55: {  	_ =	swait.ge [sflag:s19], $0x4000  }
.Ltmp1:
0x56: {  	[sflag:s19] =	ssyncset.done $0x0;
	(pc) =	sbr.rel @p0 .LBB2_4-.Ltmp1, $4  }
0x57: {  	[sflag:s19] =	ssyncadd.s32 $0xFFFFC000  }
0x58: {  	[spmem:s2] =	stream.indirect.scatter.add.f32 [tilespmem:s21], [sflag:$0x1], $0x80, s20, s20, $0xb8;
	[tilespmem:$0x1C100] =	vst v63  }
0x59: {  	_ =	swait.ge [sflag:s19], $0x4000  }
0x5a: {  	s24 =	smov.u32 s28;
	[sflag:s19] =	ssyncset.done $0x0  }
0x5b: {  	s24 =	sadd.s32 s23, s17;
	[sflag:s19] =	ssyncadd.s32 $0xFFFFC000  }
0x5c: {  	[tilespmem:s3], [sflag:$0x1] =	stream.linear.gather [hbm4b:s24+s3], $0x80, $0x38;
	[tilespmem:$0x1C100] =	vst v63  }
0x5d: {  	_ =	swait.ge [sflag:s19], $0x80  }
0x5e: {  	[sflag:s19] =	ssyncset.done $0x0  }
0x5f: {  	s31 =	sadd.s32 s23, s16;
	[sflag:s19] =	ssyncadd.s32 $0xFFFFFF80  }
0x60: {  	[tilespmem:s20], [sflag:$0x1] =	stream.linear.gather [hbm4b:s31+s3], $0x80, $0x38;
	[tilespmem:$0x1C100] =	vst v63  }
0x61: {  	_ =	swait.ge [sflag:s19], $0x80  }
0x62: {  	[sflag:s19] =	ssyncset.done $0x0  }
0x63: {  	[sflag:s19] =	ssyncadd.s32 $0xFFFFFF80  }
0x64: {  	[tilespmem:s21], [sflag:$0x1] =	stream.indirect.gather [hbm4b:s4+s20], $0x80, s3, s20, $0xb8;
	[tilespmem:$0x1C100] =	vst v63  }
0x65: {  	_ =	swait.ge [sflag:s19], $0x4000  }
0x66: {  	[sflag:s19] =	ssyncset.done $0x0  }
0x67: {  	[sflag:s19] =	ssyncadd.s32 $0xFFFFC000  }
0x68: {  	[spmem:s2] =	stream.indirect.scatter.add.f32 [tilespmem:s21], [sflag:$0x1], $0x80, s20, s20, $0xb8;
	[tilespmem:$0x1C100] =	vst v63  }
0x69: {  	_ =	swait.ge [sflag:s19], $0x4000  }
0x6a: {  	[sflag:s19] =	ssyncset.done $0x0  }
0x6b: {  	[sflag:s19] =	ssyncadd.s32 $0xFFFFC000  }
0x6c: {  	[bflag:$0x0] =	sbarrier.arrive $0xFFFF  }
0x6d: {  	[tilespmem:s21], [sflag:$0x1] =	stream.linear.gather [spmem:s5], $0x4000, $0x38;
	[tilespmem:$0x1C100] =	vst v63  }
0x6e: {  	_ =	swait.ge [sflag:s19], $0x4000  }
0x6f: {  	[sflag:s19] =	ssyncset.done $0x0  }
0x70: {  	[sflag:s19] =	ssyncadd.s32 $0xFFFFC000  }
0x71: {  	[hbm4b:s10+s3] =	stream.linear.scatter [tilespmem:s21], [sflag:$0x1], $0x4000, $0x38;
	[tilespmem:$0x1C100] =	vst v63  }
0x72: {  	_ =	swait.ge [sflag:s19], $0x4000  }
0x73: {  	[sflag:s19] =	ssyncset.done $0x0  }
0x74: {  	[sflag:s19] =	ssyncadd.s32 $0xFFFFC000  }
0x75: {  	[tilespmem:s21], [sflag:$0x1] =	stream.linear.gather [spmem:s6], $0x4000, $0x38;
	[tilespmem:$0x1C100] =	vst v63  }
0x76: {  	_ =	swait.ge [sflag:s19], $0x4000  }
0x77: {  	[sflag:s19] =	ssyncset.done $0x0  }
0x78: {  	[sflag:s19] =	ssyncadd.s32 $0xFFFFC000  }
0x79: {  	[hbm4b:s11+s3] =	stream.linear.scatter [tilespmem:s21], [sflag:$0x1], $0x4000, $0x38;
	[tilespmem:$0x1C100] =	vst v63  }
0x7a: {  	_ =	swait.ge [sflag:s19], $0x4000  }
0x7b: {  	[sflag:s19] =	ssyncset.done $0x0  }
0x7c: {  	[sflag:s19] =	ssyncadd.s32 $0xFFFFC000  }
0x7d: {  	[tilespmem:s21], [sflag:$0x1] =	stream.linear.gather [spmem:s7], $0x4000, $0x38;
	[tilespmem:$0x1C100] =	vst v63  }
0x7e: {  	_ =	swait.ge [sflag:s19], $0x4000  }
0x7f: {  	[sflag:s19] =	ssyncset.done $0x0  }
0x80: {  	[sflag:s19] =	ssyncadd.s32 $0xFFFFC000  }
0x81: {  	[hbm4b:s12+s3] =	stream.linear.scatter [tilespmem:s21], [sflag:$0x1], $0x4000, $0x38;
	[tilespmem:$0x1C100] =	vst v63  }
0x82: {  	_ =	swait.ge [sflag:s19], $0x4000  }
0x83: {  	[sflag:s19] =	ssyncset.done $0x0  }
0x84: {  	[sflag:s19] =	ssyncadd.s32 $0xFFFFC000  }
0x85: {  	[tilespmem:s21], [sflag:$0x1] =	stream.linear.gather [spmem:s8], $0x4000, $0x38;
	[tilespmem:$0x1C100] =	vst v63  }
0x86: {  	_ =	swait.ge [sflag:s19], $0x4000  }
0x87: {  	[sflag:s19] =	ssyncset.done $0x0  }
0x88: {  	[sflag:s19] =	ssyncadd.s32 $0xFFFFC000  }
0x89: {  	[hbm4b:s13+s3] =	stream.linear.scatter [tilespmem:s21], [sflag:$0x1], $0x4000, $0x38;
	[tilespmem:$0x1C100] =	vst v63  }
0x8a: {  	_ =	swait.ge [sflag:s19], $0x4000  }
0x8b: {  	[sflag:s19] =	ssyncset.done $0x0  }
0x8c: {  	[sflag:s19] =	ssyncadd.s32 $0xFFFFC000  }
0x8d: {  	[tilespmem:s21], [sflag:$0x1] =	stream.linear.gather [spmem:s9], $0x4000, $0x38;
	[tilespmem:$0x1C100] =	vst v63  }
0x8e: {  	s22 =	sadd.s32 $0x1, s22;
	_ =	swait.ge [sflag:s19], $0x4000  }
0x8f: {  	p0 =	sne.s32 s22, s15;
	[sflag:s19] =	ssyncset.done $0x0  }
.Ltmp2:
0x90: {  	[sflag:s19] =	ssyncadd.s32 $0xFFFFC000;
	(pc) =	sbr.rel @p0 .LBB2_1-.Ltmp2, $4  }
0x91: {  	[hbm4b:s14+s3] =	stream.linear.scatter [tilespmem:s21], [sflag:$0x1], $0x4000, $0x38;
	[tilespmem:$0x1C100] =	vst v63  }
0x92: {  	_ =	swait.ge [sflag:s19], $0x4000  }
0x93: {  	[sflag:s19] =	ssyncset.done $0x0  }
0x94: {  	[sflag:s19] =	ssyncadd.s32 $0xFFFFC000  }
0x95: {  	_ =	sfence.sel $0x180000  }
0x96: {  	[bflag:$0x0] =	sbarrier.arrive $0xFFFF  }
0x97: {  	p0 =	sne.s32 s1, $0x0;
	_ =	strace $0x9000004A  }
0x98: {  	s0 =	sadd.s32 @!p0 $0x100000, s0;
	[bflag:$0x2] =	sbarrier.arrive $0xFFFF  }
0x99: {  	[sflag:s0] =	ssyncadd.tile.s32 @!p0 $0x1;
	_ =	shalt  }
.Lfunc_end2:
_tile_overlayer_lowered:
.L_overlay_start_2:
0x9a: {  	(tag) =	ssettag $0x2  }
0x9b: {  	s0 =	rddreg [dreg:$0x0];
	s2 =	stileid.u32  }
0x9c: {  	s1 =	rddreg [dreg:$0x1];
	p0 =	sne.s32 s2, $0x0  }
0x9d: {  	s3 =	rddreg [dreg:$0x2];
	[bflag:$0x3] =	sbarrier.arrive $0xFFFF;
	s2 =	simm.s32 @!p0 $0x1C01  }
0x9e: {  	[timem:s3], [sflag:s2] =	dma.local @!p0 [hbm:s0], s1  }
0x9f: {  	s0 =	simm.s32 @!p0 $0x1  }
0xa0: {  	_ =	swait.ge @!p0 [sflag:s0], s1  }
0xa1: {  	s1 =	ssub.s32 @!p0 $0x0, s1;
	[sflag:s0] =	ssyncset.done @!p0 $0x0  }
0xa2: {  	[sflag:s0] =	ssyncadd.s32 @!p0 s1  }
0xa3: {  	[bflag:$0x3] =	sbarrier.arrive $0xFFFF  }
0xa4: {  	_ =	shalt  }

// kernel: kernel.14.cloned.1.call-start
scs
__scs_entry_jumppad:
0x0: {  	(pc) =	sbr.rel $0x88, $3  }
0x1: {  	(tag) =	ssettag $0x0;
	lr =	simm.s32 $0x1  }
0x2: {  	[smem:$0x3F98] =	sst lr;
	_ =	strace $0xD0000000  }
0x3: {  	_ = 	snop  }
0x4: {  	_ = 	snop  }
0x5: {  	_ = 	snop  }
0x6: {  	_ = 	snop  }
0x7: {  	_ = 	snop  }
__scs_overlays_trampoline_lowered:
0x8: {  	[smem:$0x3FA7] =	sst s0  }
0x9: {  	[smem:$0x3FA8] =	sst s1  }
0xa: {  	[smem:$0x3FA9] =	sst s2  }
0xb: {  	[smem:$0x3FAA] =	sst s3  }
0xc: {  	[smem:$0x3FAB] =	sst s4  }
0xd: {  	[smem:$0x3FAC] =	sst s5  }
0xe: {  	[smem:$0x3FAD] =	sst s6  }
0xf: {  	[smem:$0x3FAE] =	sst s7  }
0x10: {  	[smem:$0x3FAF] =	sst s8  }
0x11: {  	[smem:$0x3FB0] =	sst s9;
	s0 =	simm.s32 @!p0 $0x0  }
0x12: {  	s1 =	sld [smem:$0x3F96];
	s0 =	simm.s32 @p0 $0x1  }
0x13: {  	[smem:$0x3FB1] =	sst s0;
	s0 =	simm.s32 @!p1 $0x0  }
0x14: {  	s2 =	sld [smem:$0x3F95];
	s0 =	simm.s32 @p1 $0x1  }
0x15: {  	[smem:$0x3FB2] =	sst s0;
	s0 =	simm.s32 @!p2 $0x0  }
0x16: {  	s3 =	sld [smem:$0x3FDB];
	s0 =	simm.s32 @p2 $0x1  }
0x17: {  	s4 =	simm.s32 $0x1BF5;
	[smem:$0x3FB4] =	sst s0  }
0x18: {  	s0 =	sld [smem:$0x3F97];
	_ =	swait.ge [sflag:s4], $0x0  }
0x19: {  	s7 =	sld [smem:$0x3F98]  }
0x1a: {  	s8 =	sadd.s32 $0xFFFFE003, lr  }
0x1b: {  	s9 =	sadd.s32 $0xFFFFFEF7, lr;
	s5 =	simm.s32 $0xFFFFFFFF;
	p2 =	slt.u32 s8, $0xFFFFF086  }
0x1c: {  	p1 =	slt.u32 s9, $0xF7A;
	s5 =	simm.s32 @!p2 $0x0  }
0x1d: {  	s5 =	simm.s32 @p1 $0x1;
	p0 =	seq.s32 s7, s2  }
0x1e: {  	s7 =	smul.u32 @!p0 $0xF7A, s2;
	p2 =	seq.s32 @!p0 s5, $0x0  }
0x1f: {  	s9 =	smul.u32 $0xF7A, s1;
	s8 =	simm.s32 @!p0 $0x1BF5;
	p2 =	por !p2, p0  }
0x20: {  	[sflag:s8] =	ssyncset.s32 @!p0 $0xFFFFF086;
	s6 =	sadd.s32 @!p0 s3, s7;
	s7 =	simm.s32 @!p0 $0x108  }
0x21: {  	s3 =	sadd.s32 s3, s9;
	s6 =	sadd.s32 @!p0 $0x88, s6;
	s7 =	simm.s32 @p2 $0x1082  }
0x22: {  	[simem:s7], [sflag:s8] =	dma.local @!p0 [hbm:s6], $0xF7A  }
0x23: {  	s9 =	sor.u32 $0xD0000000, s2;
	s6 =	simm.s32 $0x108;
	_ =	swait.ge @!p0 [sflag:s8], $0x0  }
0x24: {  	s3 =	sadd.s32 $0x88, s3;
	s6 =	simm.s32 @!p1 $0x1082;
	[sflag:s4] =	ssyncset.s32 $0xFFFFF086  }
0x25: {  	[simem:s6], [sflag:s4] =	dma.local [hbm:s3], $0xF7A  }
0x26: {  	[smem:$0x3F98] =	sst s1;
	(tag) =	ssettag s2;
	_ =	strace s9  }
0x27: {  	s1 =	sld [smem:$0x3FA8]  }
0x28: {  	s2 =	sld [smem:$0x3FA9]  }
0x29: {  	s4 =	sld [smem:$0x3FAB]  }
0x2a: {  	p0 =	seq.s32 s5, $0x0;
	s5 =	sld [smem:$0x3FAC]  }
0x2b: {  	s6 =	sld [smem:$0x3FAD]  }
0x2c: {  	s7 =	sld [smem:$0x3FAE]  }
0x2d: {  	s3 =	simm.s32 $0x108;
	s8 =	sld [smem:$0x3FAF]  }
0x2e: {  	s3 =	simm.s32 @!p0 $0x1082;
	s9 =	sld [smem:$0x3FB0]  }
0x2f: {  	lr =	sadd.s32 s0, s3;
	s0 =	sld [smem:$0x3FA7]  }
0x30: {  	s3 =	sld [smem:$0x3FAA]  }
0x31: {  	[smem:$0x3FB3] =	sst s10  }
0x32: {  	s10 =	sld [smem:$0x3FB1];
	_ =	sdelay $0x3  }
0x33: {  	p0 =	seq.s32 s10, $0x1;
	s10 =	sld [smem:$0x3FB3];
	_ =	sdelay $0x3  }
0x34: {  	[smem:$0x3FB3] =	sst s10  }
0x35: {  	s10 =	sld [smem:$0x3FB2];
	_ =	sdelay $0x3  }
0x36: {  	p1 =	seq.s32 s10, $0x1;
	s10 =	sld [smem:$0x3FB3];
	_ =	sdelay $0x3  }
0x37: {  	[smem:$0x3FB3] =	sst s10  }
0x38: {  	s10 =	sld [smem:$0x3FB4]  }
0x39: {  	_ = 	snop;
	(pc) =	sbr.ind lr, $3  }
0x3a: {  	_ = 	snop  }
0x3b: {  	_ = 	snop  }
0x3c: {  	p2 =	seq.s32 s10, $0x1;
	s10 =	sld [smem:$0x3FB3]  }
0x3d: {  	_ =	shalt  }
0x3e: {  	_ =	shalt  }
0x3f: {  	_ =	shalt  }
0x40: {  	_ =	shalt  }
0x41: {  	_ =	shalt  }
0x42: {  	_ =	shalt  }
0x43: {  	_ =	shalt  }
0x44: {  	_ =	shalt  }
0x45: {  	_ =	shalt  }
0x46: {  	_ =	shalt  }
0x47: {  	_ =	shalt  }
0x48: {  	_ =	shalt  }
0x49: {  	_ =	shalt  }
0x4a: {  	_ =	shalt  }
0x4b: {  	_ =	shalt  }
0x4c: {  	_ =	shalt  }
0x4d: {  	_ =	shalt  }
0x4e: {  	_ =	shalt  }
0x4f: {  	_ =	shalt  }
0x50: {  	_ =	shalt  }
0x51: {  	_ =	shalt  }
0x52: {  	_ =	shalt  }
0x53: {  	_ =	shalt  }
0x54: {  	_ =	shalt  }
0x55: {  	_ =	shalt  }
0x56: {  	_ =	shalt  }
0x57: {  	_ =	shalt  }
0x58: {  	_ =	shalt  }
0x59: {  	_ =	shalt  }
0x5a: {  	_ =	shalt  }
0x5b: {  	_ =	shalt  }
0x5c: {  	_ =	shalt  }
0x5d: {  	_ =	shalt  }
0x5e: {  	_ =	shalt  }
0x5f: {  	_ =	shalt  }
0x60: {  	_ =	shalt  }
0x61: {  	_ =	shalt  }
0x62: {  	_ =	shalt  }
0x63: {  	_ =	shalt  }
0x64: {  	_ =	shalt  }
0x65: {  	_ =	shalt  }
0x66: {  	_ =	shalt  }
0x67: {  	_ =	shalt  }
0x68: {  	_ =	shalt  }
0x69: {  	_ =	shalt  }
0x6a: {  	_ =	shalt  }
0x6b: {  	_ =	shalt  }
0x6c: {  	_ =	shalt  }
0x6d: {  	_ =	shalt  }
0x6e: {  	_ =	shalt  }
0x6f: {  	_ =	shalt  }
0x70: {  	_ =	shalt  }
0x71: {  	_ =	shalt  }
0x72: {  	_ =	shalt  }
0x73: {  	_ =	shalt  }
0x74: {  	_ =	shalt  }
0x75: {  	_ =	shalt  }
0x76: {  	_ =	shalt  }
0x77: {  	_ =	shalt  }
0x78: {  	_ =	shalt  }
0x79: {  	_ =	shalt  }
0x7a: {  	_ =	shalt  }
0x7b: {  	_ =	shalt  }
0x7c: {  	_ =	shalt  }
0x7d: {  	_ =	shalt  }
0x7e: {  	_ =	shalt  }
0x7f: {  	_ =	shalt  }
0x80: {  	_ =	shalt  }
0x81: {  	_ =	shalt  }
0x82: {  	_ =	shalt  }
0x83: {  	_ =	shalt  }
0x84: {  	_ =	shalt  }
0x85: {  	_ =	shalt  }
0x86: {  	_ =	shalt  }
0x87: {  	_ =	shalt  }
.Lfunc_end0:
.L_simem_size_0:
called_computation.2_lowered:
.L_overlay_start_0:
0x88: {  	s2 =	sld [smem:$0x3FD9]  }
0x89: {  	s3 =	sld [smem:$0x3FFE];
	_ =	sdelay $0x1  }
0x8a: {  	s1 =	srdreg.scid  }
0x8b: {  	s0 =	sand.u32 $0x1, s1  }
0x8c: {  	s16 =	sshll.u32 s0, $0xA;
	s2 =	sadd.s32 s3, s2  }
0x8d: {  	s2 =	sadd.s32 s2, s16  }
0x8e: {  	[smem:$0x3FBF] =	sst s2  }
0x8f: {  	_ = 	snop  }
0x90: {  	(tm) =	ssettm $0x1  }
0x91: {  	s17 =	sld [smem:$0x3FFB];
	_ =	sdelay $0x3  }
0x92: {  	_ =	strace s17  }
0x93: {  	s2 =	sld [smem:$0x3FFC];
	_ =	sdelay $0x3  }
0x94: {  	_ =	strace s2  }
0x95: {  	s2 =	sld [smem:$0x3FFD];
	_ =	sdelay $0x3  }
0x96: {  	_ =	strace s2  }
0x97: {  	_ =	strace $0x8FFFFFFF  }
0x98: {  	s18 =	sld [smem:$0x3FDB];
	_ =	sdelay $0x1  }
0x99: {  	s19 =	simm.s32 $_scs_section_size  }
0x9a: {  	s4 =	simm.s32 $_size__tile_overlayer_lowered;
	s5 =	simm.s32 $_tile_overlayer_lowered  }
0x9b: {  	s22 =	simm.s32 $0x1BFF;
	s21 =	sshll.u32 s5, $0x1;
	s2 =	sadd.s32 s19, s18  }
0x9c: {  	s6 =	simm.s32 $0x0;
	s20 =	sshll.u32 s4, $0x1;
	s4 =	sadd.s32 s21, s2  }
0x9d: {  	[timem:s6], [sflag:s22] =	dma.local [hbm:s4], s20  }
0x9e: {  	_ =	swait.ge [sflag:s22], s20  }
0x9f: {  	s3 =	ssub.s32 $0x0, s20;
	[sflag:s22] =	ssyncset.done $0x0  }
0xa0: {  	[sflag:s22] =	ssyncadd.s32 s3;
	_ =	sdelay $0x1  }
0xa1: {  	s23 =	simm.s32 $0x1B8B  }
0xa2: {  	_ =	swait.ge [sflag:s23], $0x1  }
0xa3: {  	[sflag:s23] =	ssyncset.done $0x0  }
0xa4: {  	s25 =	simm.s32 $0x1B8E;
	s24 =	sld [smem:$0x3FFE];
	[sflag:s23] =	ssyncadd.s32 $0xFFFFFFFF  }
0xa5: {  	s26 =	simm.s32 $execute0_lowered;
	[smem:$0x3FD2] =	sst s25  }
0xa6: {  	s4 =	sshll.u32 s26, $0x1;
	_ =	strace $0x8000004C;
	[dreg:$0x1] =	wrdreg $0xFFFFFFFF  }
0xa7: {  	s28 =	simm.s32 $_size_execute0_lowered;
	s2 =	sadd.s32 s2, s4;
	[dreg:$0x0] =	wrdreg $0x0  }
0xa8: {  	s4 =	sshll.u32 s28, $0x1;
	[dreg:$0x2] =	wrdreg s2  }
0xa9: {  	[dreg:$0x3] =	wrdreg s4  }
0xaa: {  	[dreg:$0x4] =	wrdreg $0xC0  }
0xab: {  	_ =	task [dreg:s6], $0x5FFFF  }
0xac: {  	[dreg:$0x1] =	wrdreg $0xFFFFFFFF  }
0xad: {  	[dreg:$0x0] =	wrdreg $0x60  }
0xae: {  	[dreg:$0x2] =	wrdreg s24  }
0xaf: {  	[dreg:$0x3] =	wrdreg $0x81000  }
0xb0: {  	[dreg:$0x4] =	wrdreg $0x9  }
0xb1: {  	_ =	task.clear_ibuf [dreg:s6], $0x5FFFF;
	_ =	strace $0x9000004C  }
0xb2: {  	s29 =	simm.s32 $0x9;
	_ =	strace $0x8000004E  }
0xb3: {  	_ =	swait.ge [sflag:s29], $0x1  }
0xb4: {  	[sflag:s29] =	ssyncadd.s32 $0xFFFFFFFF  }
0xb5: {  	_ =	strace $0x9000004E  }
0xb6: {  	_ =	sfence  }
0xb7: {  	s30 =	sld [smem:$0x0];
	_ =	sdelay $0x2  }
0xb8: {  	s31 =	sshll.u32 s1, $0xD;
	s1 =	sshrl.u32 s1, $0x2  }
0xb9: {  	s3 =	sand.u32 $0x4000, s31;
	s1 =	sadd.s32 s1, s30  }
0xba: {  	s0 =	sor.u32 s3, s0;
	s1 =	sshll.u32 s1, $0x11  }
0xbb: {  	s0 =	sor.u32 s1, s0  }
0xbc: {  	s0 =	sadd.s32 $0x8F2B, s0  }
0xbd: {  	[sflag:s0] =	ssyncadd.remote.s32 $0x1  }
0xbe: {  	_ =	sfence.sel $0xFFFF  }
0xbf: {  	[dreg:$0x0] =	wrdreg $0xFFFFFFFF;
	(pc) =	sbr.abs _section_cstart, $3  }
0xc0: {  	[dreg:$0x1] =	wrdreg $0xFFFFFFFF  }
0xc1: {  	_ =	task.clear_ibuf [dreg:s6], $0x2FFFF;
	_ =	strace $0x9FFFFFFF  }
0xc2: {  	(tm) =	ssettm $0x7FFFFFFF  }
0xc3: {  	_ =	shalt  }
tec
execute0_lowered:
.L_overlay_start_1:
0x0: {  	(tag) =	ssettag $0x1  }
0x1: {  	s5 =	rddreg [dreg:$0x0]  }
0x2: {  	s2 =	rddreg [dreg:$0x1]  }
0x3: {  	s0 =	rddreg [dreg:$0x2]  }
0x4: {  	s3 =	simm.s32 $0x0;
	s1 =	stileid.u32;
	s7 =	srdreg.scid  }
0x5: {  	s21 =	simm.s32 $0x100;
	s22 =	simm.s32 $0x0;
	s6 =	smul.u32 $0x9E0, s1  }
0x6: {  	[smem:$0x7FF] =	sst s3;
	s4 =	sadd.s32 $0x17200, s5;
	s24 =	smul.u32 $0x50000, s1  }
0x7: {  	s12 =	sand.u32 $0x1, s7;
	s9 =	smul.u32 $0x14000, s1;
	s15 =	sadd.s32 $0x3E400, s5  }
0x8: {  	_ =	strace $0x8000004D;
	s25 =	ssub.s32 $0x2, s12;
	s18 =	smul.u32 $0x140000, s12  }
0x9: {  	s28 =	smul.u32 $0x4F0, s12;
	s14 =	sadd.s32 s6, s5;
	s26 =	sshrl.u32 s25, $0x1  }
0xa: {  	s7 =	sshrl.u32 s24, $0x2;
	s10 =	sadd.s32 $0x4000, s9;
	s13 =	sadd.s32 $0x8000, s9  }
0xb: {  	s17 =	sadd.s32 $0xC000, s9;
	s19 =	sadd.s32 $0x10000, s9;
	s16 =	ssub.s32 s25, s26  }
0xc: {  	s5 =	sadd.s32 s7, s2;
	s6 =	sadd.s32 s10, s2;
	s7 =	sadd.s32 s13, s2  }
0xd: {  	s8 =	sadd.s32 s17, s2;
	s11 =	sadd.s32 s9, s18;
	s10 =	sadd.s32 s18, s10  }
0xe: {  	s9 =	sadd.s32 s19, s2;
	s13 =	sadd.s32 s18, s13;
	s17 =	sadd.s32 s18, s17  }
0xf: {  	s30 =	sadd.s32 s18, s19;
	s31 =	sadd.s32 s28, s14;
	s18 =	simm.s32 $0x4100  }
0x10: {  	s19 =	simm.s32 $0x1;
	s11 =	sshrl.u32 s11, $0x3;
	s20 =	sshrl.u32 s10, $0x3  }
0x11: {  	s13 =	sshrl.u32 s13, $0x3;
	s29 =	sshrl.u32 s17, $0x3;
	s17 =	sshrl.u32 s30, $0x3  }
0x12: {  	s10 =	sadd.s32 s15, s11;
	s11 =	sadd.s32 s15, s20;
	s12 =	sadd.s32 s15, s13  }
0x13: {  	s13 =	sadd.s32 s15, s29;
	s14 =	sadd.s32 s15, s17;
	s15 =	smax.u32 s16, $0x1  }
0x14: {  	v0 =	vimm.f32 $0.0e+00;
	s16 =	sadd.s32 $0x2C00, s31;
	s17 =	sadd.s32 $0xD400, s31;
	s20 =	simm.s32 $0x80  }
.LBB2_1:
0x15: {  	s23 =	simm.s32 $0x0;
	s24 =	simm.s32 $0x200  }
.LBB2_2:
0x16: {  	p0 =	sne.s32 s24, $0xFE00;
	[tilespmem:s23+$0x4170] =	vst v0  }
0x17: {  	[tilespmem:s23+$0x4100] =	vst v0  }
0x18: {  	[tilespmem:s23+$0x4110] =	vst v0  }
.Ltmp0:
0x19: {  	[tilespmem:s23+$0x4120] =	vst v0;
	(pc) =	sbr.rel @p0 .LBB2_2-.Ltmp0, $4  }
0x1a: {  	[tilespmem:s23+$0x4130] =	vst v0  }
0x1b: {  	[tilespmem:s23+$0x4140] =	vst v0  }
0x1c: {  	[tilespmem:s23+$0x4150] =	vst v0  }
0x1d: {  	[tilespmem:s23+$0x4160] =	vst v0;
	s23 =	sshra.s32 s24, $0x2;
	s24 =	sadd.s32 $0x200, s24  }
0x1e: {  	[tilespmem:s23+$0x4170] =	vst v0  }
0x1f: {  	[tilespmem:s23+$0x4100] =	vst v0  }
0x20: {  	[tilespmem:s23+$0x4110] =	vst v0  }
0x21: {  	[tilespmem:s23+$0x4120] =	vst v0  }
0x22: {  	[tilespmem:s23+$0x4130] =	vst v0  }
0x23: {  	[tilespmem:s23+$0x4140] =	vst v0  }
0x24: {  	[tilespmem:s23+$0x4150] =	vst v0  }
0x25: {  	[tilespmem:s23+$0x4160] =	vst v0  }
0x26: {  	[spmem:s5] =	stream.linear.scatter [tilespmem:s18], [sflag:$0x1], $0x4000, $0x38;
	[tilespmem:$0x1C100] =	vst v63  }
0x27: {  	_ =	swait.ge [sflag:s19], $0x4000  }
0x28: {  	[sflag:s19] =	ssyncset.done $0x0  }
0x29: {  	[sflag:s19] =	ssyncadd.s32 $0xFFFFC000  }
0x2a: {  	[spmem:s6] =	stream.linear.scatter [tilespmem:s18], [sflag:$0x1], $0x4000, $0x38;
	[tilespmem:$0x1C100] =	vst v63  }
0x2b: {  	_ =	swait.ge [sflag:s19], $0x4000  }
0x2c: {  	[sflag:s19] =	ssyncset.done $0x0  }
0x2d: {  	[sflag:s19] =	ssyncadd.s32 $0xFFFFC000  }
0x2e: {  	[spmem:s7] =	stream.linear.scatter [tilespmem:s18], [sflag:$0x1], $0x4000, $0x38;
	[tilespmem:$0x1C100] =	vst v63  }
0x2f: {  	_ =	swait.ge [sflag:s19], $0x4000  }
0x30: {  	[sflag:s19] =	ssyncset.done $0x0  }
0x31: {  	[sflag:s19] =	ssyncadd.s32 $0xFFFFC000  }
0x32: {  	[spmem:s8] =	stream.linear.scatter [tilespmem:s18], [sflag:$0x1], $0x4000, $0x38;
	[tilespmem:$0x1C100] =	vst v63  }
0x33: {  	_ =	swait.ge [sflag:s19], $0x4000  }
0x34: {  	[sflag:s19] =	ssyncset.done $0x0  }
0x35: {  	[sflag:s19] =	ssyncadd.s32 $0xFFFFC000  }
0x36: {  	[spmem:s9] =	stream.linear.scatter [tilespmem:s18], [sflag:$0x1], $0x4000, $0x38;
	[tilespmem:$0x1C100] =	vst v63  }
0x37: {  	_ =	swait.ge [sflag:s19], $0x4000  }
0x38: {  	[sflag:s19] =	ssyncset.done $0x0  }
0x39: {  	[sflag:s19] =	ssyncadd.s32 $0xFFFFC000  }
0x3a: {  	s30 =	sadd.s32 $0x0, s17;
	[bflag:$0x0] =	sbarrier.arrive $0xFFFF  }
0x3b: {  	[tilespmem:s3], [sflag:$0x1] =	stream.linear.gather [hbm4b:s30+s3], $0x80, $0x38;
	[tilespmem:$0x1C100] =	vst v63  }
0x3c: {  	_ =	swait.ge [sflag:s19], $0x80  }
0x3d: {  	[sflag:s19] =	ssyncset.done $0x0  }
0x3e: {  	s31 =	sadd.s32 $0x0, s16;
	[sflag:s19] =	ssyncadd.s32 $0xFFFFFF80  }
0x3f: {  	[tilespmem:s20], [sflag:$0x1] =	stream.linear.gather [hbm4b:s31+s3], $0x80, $0x38;
	[tilespmem:$0x1C100] =	vst v63  }
0x40: {  	_ =	swait.ge [sflag:s19], $0x80  }
0x41: {  	[sflag:s19] =	ssyncset.done $0x0  }
0x42: {  	[sflag:s19] =	ssyncadd.s32 $0xFFFFFF80  }
0x43: {  	[tilespmem:s21], [sflag:$0x1] =	stream.indirect.gather [hbm4b:s4+s20], $0x80, s3, s20, $0xb8;
	[tilespmem:$0x1C100] =	vst v63  }
0x44: {  	_ =	swait.ge [sflag:s19], $0x4000  }
0x45: {  	[sflag:s19] =	ssyncset.done $0x0  }
0x46: {  	[sflag:s19] =	ssyncadd.s32 $0xFFFFC000  }
0x47: {  	[spmem:s2] =	stream.indirect.scatter.add.f32 [tilespmem:s21], [sflag:$0x1], $0x80, s20, s20, $0xb8;
	[tilespmem:$0x1C100] =	vst v63  }
0x48: {  	_ =	swait.ge [sflag:s19], $0x4000  }
0x49: {  	s23 =	simm.s32 $0x10;
	s24 =	simm.s32 $0x20;
	[sflag:s19] =	ssyncset.done $0x0  }
.LBB2_4:
0x4a: {  	s25 =	sadd.s32 s23, s17  }
0x4b: {  	[sflag:s19] =	ssyncadd.s32 $0xFFFFC000;
	s26 =	smov.u32 s24;
	s28 =	sadd.s32 $0x10, s24  }
0x4c: {  	[tilespmem:s3], [sflag:$0x1] =	stream.linear.gather [hbm4b:s25+s3], $0x80, $0x38;
	[tilespmem:$0x1C100] =	vst v63  }
0x4d: {  	p0 =	sne.s32 s24, $0x4E0;
	_ =	swait.ge [sflag:s19], $0x80  }
0x4e: {  	[sflag:s19] =	ssyncset.done $0x0  }
0x4f: {  	s24 =	sadd.s32 s23, s16;
	s23 =	smov.u32 s26;
	[sflag:s19] =	ssyncadd.s32 $0xFFFFFF80  }
0x50: {  	[tilespmem:s20], [sflag:$0x1] =	stream.linear.gather [hbm4b:s24+s3], $0x80, $0x38;
	[tilespmem:$0x1C100] =	vst v63  }
0x51: {  	_ =	swait.ge [sflag:s19], $0x80  }
0x52: {  	[sflag:s19] =	ssyncset.done $0x0  }
0x53: {  	[sflag:s19] =	ssyncadd.s32 $0xFFFFFF80  }
0x54: {  	[tilespmem:s21], [sflag:$0x1] =	stream.indirect.gather [hbm4b:s4+s20], $0x80, s3, s20, $0xb8;
	[tilespmem:$0x1C100] =	vst v63  }
0x55: {  	_ =	swait.ge [sflag:s19], $0x4000  }
.Ltmp1:
0x56: {  	[sflag:s19] =	ssyncset.done $0x0;
	(pc) =	sbr.rel @p0 .LBB2_4-.Ltmp1, $4  }
0x57: {  	[sflag:s19] =	ssyncadd.s32 $0xFFFFC000  }
0x58: {  	[spmem:s2] =	stream.indirect.scatter.add.f32 [tilespmem:s21], [sflag:$0x1], $0x80, s20, s20, $0xb8;
	[tilespmem:$0x1C100] =	vst v63  }
0x59: {  	_ =	swait.ge [sflag:s19], $0x4000  }
0x5a: {  	s24 =	smov.u32 s28;
	[sflag:s19] =	ssyncset.done $0x0  }
0x5b: {  	s24 =	sadd.s32 s23, s17;
	[sflag:s19] =	ssyncadd.s32 $0xFFFFC000  }
0x5c: {  	[tilespmem:s3], [sflag:$0x1] =	stream.linear.gather [hbm4b:s24+s3], $0x80, $0x38;
	[tilespmem:$0x1C100] =	vst v63  }
0x5d: {  	_ =	swait.ge [sflag:s19], $0x80  }
0x5e: {  	[sflag:s19] =	ssyncset.done $0x0  }
0x5f: {  	s31 =	sadd.s32 s23, s16;
	[sflag:s19] =	ssyncadd.s32 $0xFFFFFF80  }
0x60: {  	[tilespmem:s20], [sflag:$0x1] =	stream.linear.gather [hbm4b:s31+s3], $0x80, $0x38;
	[tilespmem:$0x1C100] =	vst v63  }
0x61: {  	_ =	swait.ge [sflag:s19], $0x80  }
0x62: {  	[sflag:s19] =	ssyncset.done $0x0  }
0x63: {  	[sflag:s19] =	ssyncadd.s32 $0xFFFFFF80  }
0x64: {  	[tilespmem:s21], [sflag:$0x1] =	stream.indirect.gather [hbm4b:s4+s20], $0x80, s3, s20, $0xb8;
	[tilespmem:$0x1C100] =	vst v63  }
0x65: {  	_ =	swait.ge [sflag:s19], $0x4000  }
0x66: {  	[sflag:s19] =	ssyncset.done $0x0  }
0x67: {  	[sflag:s19] =	ssyncadd.s32 $0xFFFFC000  }
0x68: {  	[spmem:s2] =	stream.indirect.scatter.add.f32 [tilespmem:s21], [sflag:$0x1], $0x80, s20, s20, $0xb8;
	[tilespmem:$0x1C100] =	vst v63  }
0x69: {  	_ =	swait.ge [sflag:s19], $0x4000  }
0x6a: {  	[sflag:s19] =	ssyncset.done $0x0  }
0x6b: {  	[sflag:s19] =	ssyncadd.s32 $0xFFFFC000  }
0x6c: {  	[bflag:$0x0] =	sbarrier.arrive $0xFFFF  }
0x6d: {  	[tilespmem:s21], [sflag:$0x1] =	stream.linear.gather [spmem:s5], $0x4000, $0x38;
	[tilespmem:$0x1C100] =	vst v63  }
0x6e: {  	_ =	swait.ge [sflag:s19], $0x4000  }
0x6f: {  	[sflag:s19] =	ssyncset.done $0x0  }
0x70: {  	[sflag:s19] =	ssyncadd.s32 $0xFFFFC000  }
0x71: {  	[hbm4b:s10+s3] =	stream.linear.scatter [tilespmem:s21], [sflag:$0x1], $0x4000, $0x38;
	[tilespmem:$0x1C100] =	vst v63  }
0x72: {  	_ =	swait.ge [sflag:s19], $0x4000  }
0x73: {  	[sflag:s19] =	ssyncset.done $0x0  }
0x74: {  	[sflag:s19] =	ssyncadd.s32 $0xFFFFC000  }
0x75: {  	[tilespmem:s21], [sflag:$0x1] =	stream.linear.gather [spmem:s6], $0x4000, $0x38;
	[tilespmem:$0x1C100] =	vst v63  }
0x76: {  	_ =	swait.ge [sflag:s19], $0x4000  }
0x77: {  	[sflag:s19] =	ssyncset.done $0x0  }
0x78: {  	[sflag:s19] =	ssyncadd.s32 $0xFFFFC000  }
0x79: {  	[hbm4b:s11+s3] =	stream.linear.scatter [tilespmem:s21], [sflag:$0x1], $0x4000, $0x38;
	[tilespmem:$0x1C100] =	vst v63  }
0x7a: {  	_ =	swait.ge [sflag:s19], $0x4000  }
0x7b: {  	[sflag:s19] =	ssyncset.done $0x0  }
0x7c: {  	[sflag:s19] =	ssyncadd.s32 $0xFFFFC000  }
0x7d: {  	[tilespmem:s21], [sflag:$0x1] =	stream.linear.gather [spmem:s7], $0x4000, $0x38;
	[tilespmem:$0x1C100] =	vst v63  }
0x7e: {  	_ =	swait.ge [sflag:s19], $0x4000  }
0x7f: {  	[sflag:s19] =	ssyncset.done $0x0  }
0x80: {  	[sflag:s19] =	ssyncadd.s32 $0xFFFFC000  }
0x81: {  	[hbm4b:s12+s3] =	stream.linear.scatter [tilespmem:s21], [sflag:$0x1], $0x4000, $0x38;
	[tilespmem:$0x1C100] =	vst v63  }
0x82: {  	_ =	swait.ge [sflag:s19], $0x4000  }
0x83: {  	[sflag:s19] =	ssyncset.done $0x0  }
0x84: {  	[sflag:s19] =	ssyncadd.s32 $0xFFFFC000  }
0x85: {  	[tilespmem:s21], [sflag:$0x1] =	stream.linear.gather [spmem:s8], $0x4000, $0x38;
	[tilespmem:$0x1C100] =	vst v63  }
0x86: {  	_ =	swait.ge [sflag:s19], $0x4000  }
0x87: {  	[sflag:s19] =	ssyncset.done $0x0  }
0x88: {  	[sflag:s19] =	ssyncadd.s32 $0xFFFFC000  }
0x89: {  	[hbm4b:s13+s3] =	stream.linear.scatter [tilespmem:s21], [sflag:$0x1], $0x4000, $0x38;
	[tilespmem:$0x1C100] =	vst v63  }
0x8a: {  	_ =	swait.ge [sflag:s19], $0x4000  }
0x8b: {  	[sflag:s19] =	ssyncset.done $0x0  }
0x8c: {  	[sflag:s19] =	ssyncadd.s32 $0xFFFFC000  }
0x8d: {  	[tilespmem:s21], [sflag:$0x1] =	stream.linear.gather [spmem:s9], $0x4000, $0x38;
	[tilespmem:$0x1C100] =	vst v63  }
0x8e: {  	s22 =	sadd.s32 $0x1, s22;
	_ =	swait.ge [sflag:s19], $0x4000  }
0x8f: {  	p0 =	sne.s32 s22, s15;
	[sflag:s19] =	ssyncset.done $0x0  }
.Ltmp2:
0x90: {  	[sflag:s19] =	ssyncadd.s32 $0xFFFFC000;
	(pc) =	sbr.rel @p0 .LBB2_1-.Ltmp2, $4  }
0x91: {  	[hbm4b:s14+s3] =	stream.linear.scatter [tilespmem:s21], [sflag:$0x1], $0x4000, $0x38;
	[tilespmem:$0x1C100] =	vst v63  }
0x92: {  	_ =	swait.ge [sflag:s19], $0x4000  }
0x93: {  	[sflag:s19] =	ssyncset.done $0x0  }
0x94: {  	[sflag:s19] =	ssyncadd.s32 $0xFFFFC000  }
0x95: {  	_ =	sfence.sel $0x180000  }
0x96: {  	[bflag:$0x0] =	sbarrier.arrive $0xFFFF  }
0x97: {  	p0 =	sne.s32 s1, $0x0;
	_ =	strace $0x9000004D  }
0x98: {  	s0 =	sadd.s32 @!p0 $0x100000, s0;
	[bflag:$0x2] =	sbarrier.arrive $0xFFFF  }
0x99: {  	[sflag:s0] =	ssyncadd.tile.s32 @!p0 $0x1;
	_ =	shalt  }
.Lfunc_end2:
_tile_overlayer_lowered:
.L_overlay_start_2:
0x9a: {  	(tag) =	ssettag $0x2  }
0x9b: {  	s0 =	rddreg [dreg:$0x0];
	s2 =	stileid.u32  }
0x9c: {  	s1 =	rddreg [dreg:$0x1];
	p0 =	sne.s32 s2, $0x0  }
0x9d: {  	s3 =	rddreg [dreg:$0x2];
	[bflag:$0x3] =	sbarrier.arrive $0xFFFF;
	s2 =	simm.s32 @!p0 $0x1C01  }
0x9e: {  	[timem:s3], [sflag:s2] =	dma.local @!p0 [hbm:s0], s1  }
0x9f: {  	s0 =	simm.s32 @!p0 $0x1  }
0xa0: {  	_ =	swait.ge @!p0 [sflag:s0], s1  }
0xa1: {  	s1 =	ssub.s32 @!p0 $0x0, s1;
	[sflag:s0] =	ssyncset.done @!p0 $0x0  }
0xa2: {  	[sflag:s0] =	ssyncadd.s32 @!p0 s1  }
0xa3: {  	[bflag:$0x3] =	sbarrier.arrive $0xFFFF  }
0xa4: {  	_ =	shalt  }

// kernel: kernel.8.cloned.1.call-start
scs
__scs_entry_jumppad:
0x0: {  	(pc) =	sbr.rel $0x88, $3  }
0x1: {  	(tag) =	ssettag $0x0;
	lr =	simm.s32 $0x1  }
0x2: {  	[smem:$0x3F98] =	sst lr;
	_ =	strace $0xD0000000  }
0x3: {  	_ = 	snop  }
0x4: {  	_ = 	snop  }
0x5: {  	_ = 	snop  }
0x6: {  	_ = 	snop  }
0x7: {  	_ = 	snop  }
__scs_overlays_trampoline_lowered:
0x8: {  	[smem:$0x3FA7] =	sst s0  }
0x9: {  	[smem:$0x3FA8] =	sst s1  }
0xa: {  	[smem:$0x3FA9] =	sst s2  }
0xb: {  	[smem:$0x3FAA] =	sst s3  }
0xc: {  	[smem:$0x3FAB] =	sst s4  }
0xd: {  	[smem:$0x3FAC] =	sst s5  }
0xe: {  	[smem:$0x3FAD] =	sst s6  }
0xf: {  	[smem:$0x3FAE] =	sst s7  }
0x10: {  	[smem:$0x3FAF] =	sst s8  }
0x11: {  	[smem:$0x3FB0] =	sst s9;
	s0 =	simm.s32 @!p0 $0x0  }
0x12: {  	s1 =	sld [smem:$0x3F96];
	s0 =	simm.s32 @p0 $0x1  }
0x13: {  	[smem:$0x3FB1] =	sst s0;
	s0 =	simm.s32 @!p1 $0x0  }
0x14: {  	s2 =	sld [smem:$0x3F95];
	s0 =	simm.s32 @p1 $0x1  }
0x15: {  	[smem:$0x3FB2] =	sst s0;
	s0 =	simm.s32 @!p2 $0x0  }
0x16: {  	s3 =	sld [smem:$0x3FDB];
	s0 =	simm.s32 @p2 $0x1  }
0x17: {  	s4 =	simm.s32 $0x1BF5;
	[smem:$0x3FB4] =	sst s0  }
0x18: {  	s0 =	sld [smem:$0x3F97];
	_ =	swait.ge [sflag:s4], $0x0  }
0x19: {  	s7 =	sld [smem:$0x3F98]  }
0x1a: {  	s8 =	sadd.s32 $0xFFFFE003, lr  }
0x1b: {  	s9 =	sadd.s32 $0xFFFFFEF7, lr;
	s5 =	simm.s32 $0xFFFFFFFF;
	p2 =	slt.u32 s8, $0xFFFFF086  }
0x1c: {  	p1 =	slt.u32 s9, $0xF7A;
	s5 =	simm.s32 @!p2 $0x0  }
0x1d: {  	s5 =	simm.s32 @p1 $0x1;
	p0 =	seq.s32 s7, s2  }
0x1e: {  	s7 =	smul.u32 @!p0 $0xF7A, s2;
	p2 =	seq.s32 @!p0 s5, $0x0  }
0x1f: {  	s9 =	smul.u32 $0xF7A, s1;
	s8 =	simm.s32 @!p0 $0x1BF5;
	p2 =	por !p2, p0  }
0x20: {  	[sflag:s8] =	ssyncset.s32 @!p0 $0xFFFFF086;
	s6 =	sadd.s32 @!p0 s3, s7;
	s7 =	simm.s32 @!p0 $0x108  }
0x21: {  	s3 =	sadd.s32 s3, s9;
	s6 =	sadd.s32 @!p0 $0x88, s6;
	s7 =	simm.s32 @p2 $0x1082  }
0x22: {  	[simem:s7], [sflag:s8] =	dma.local @!p0 [hbm:s6], $0xF7A  }
0x23: {  	s9 =	sor.u32 $0xD0000000, s2;
	s6 =	simm.s32 $0x108;
	_ =	swait.ge @!p0 [sflag:s8], $0x0  }
0x24: {  	s3 =	sadd.s32 $0x88, s3;
	s6 =	simm.s32 @!p1 $0x1082;
	[sflag:s4] =	ssyncset.s32 $0xFFFFF086  }
0x25: {  	[simem:s6], [sflag:s4] =	dma.local [hbm:s3], $0xF7A  }
0x26: {  	[smem:$0x3F98] =	sst s1;
	(tag) =	ssettag s2;
	_ =	strace s9  }
0x27: {  	s1 =	sld [smem:$0x3FA8]  }
0x28: {  	s2 =	sld [smem:$0x3FA9]  }
0x29: {  	s4 =	sld [smem:$0x3FAB]  }
0x2a: {  	p0 =	seq.s32 s5, $0x0;
	s5 =	sld [smem:$0x3FAC]  }
0x2b: {  	s6 =	sld [smem:$0x3FAD]  }
0x2c: {  	s7 =	sld [smem:$0x3FAE]  }
0x2d: {  	s3 =	simm.s32 $0x108;
	s8 =	sld [smem:$0x3FAF]  }
0x2e: {  	s3 =	simm.s32 @!p0 $0x1082;
	s9 =	sld [smem:$0x3FB0]  }
0x2f: {  	lr =	sadd.s32 s0, s3;
	s0 =	sld [smem:$0x3FA7]  }
0x30: {  	s3 =	sld [smem:$0x3FAA]  }
0x31: {  	[smem:$0x3FB3] =	sst s10  }
0x32: {  	s10 =	sld [smem:$0x3FB1];
	_ =	sdelay $0x3  }
0x33: {  	p0 =	seq.s32 s10, $0x1;
	s10 =	sld [smem:$0x3FB3];
	_ =	sdelay $0x3  }
0x34: {  	[smem:$0x3FB3] =	sst s10  }
0x35: {  	s10 =	sld [smem:$0x3FB2];
	_ =	sdelay $0x3  }
0x36: {  	p1 =	seq.s32 s10, $0x1;
	s10 =	sld [smem:$0x3FB3];
	_ =	sdelay $0x3  }
0x37: {  	[smem:$0x3FB3] =	sst s10  }
0x38: {  	s10 =	sld [smem:$0x3FB4]  }
0x39: {  	_ = 	snop;
	(pc) =	sbr.ind lr, $3  }
0x3a: {  	_ = 	snop  }
0x3b: {  	_ = 	snop  }
0x3c: {  	p2 =	seq.s32 s10, $0x1;
	s10 =	sld [smem:$0x3FB3]  }
0x3d: {  	_ =	shalt  }
0x3e: {  	_ =	shalt  }
0x3f: {  	_ =	shalt  }
0x40: {  	_ =	shalt  }
0x41: {  	_ =	shalt  }
0x42: {  	_ =	shalt  }
0x43: {  	_ =	shalt  }
0x44: {  	_ =	shalt  }
0x45: {  	_ =	shalt  }
0x46: {  	_ =	shalt  }
0x47: {  	_ =	shalt  }
0x48: {  	_ =	shalt  }
0x49: {  	_ =	shalt  }
0x4a: {  	_ =	shalt  }
0x4b: {  	_ =	shalt  }
0x4c: {  	_ =	shalt  }
0x4d: {  	_ =	shalt  }
0x4e: {  	_ =	shalt  }
0x4f: {  	_ =	shalt  }
0x50: {  	_ =	shalt  }
0x51: {  	_ =	shalt  }
0x52: {  	_ =	shalt  }
0x53: {  	_ =	shalt  }
0x54: {  	_ =	shalt  }
0x55: {  	_ =	shalt  }
0x56: {  	_ =	shalt  }
0x57: {  	_ =	shalt  }
0x58: {  	_ =	shalt  }
0x59: {  	_ =	shalt  }
0x5a: {  	_ =	shalt  }
0x5b: {  	_ =	shalt  }
0x5c: {  	_ =	shalt  }
0x5d: {  	_ =	shalt  }
0x5e: {  	_ =	shalt  }
0x5f: {  	_ =	shalt  }
0x60: {  	_ =	shalt  }
0x61: {  	_ =	shalt  }
0x62: {  	_ =	shalt  }
0x63: {  	_ =	shalt  }
0x64: {  	_ =	shalt  }
0x65: {  	_ =	shalt  }
0x66: {  	_ =	shalt  }
0x67: {  	_ =	shalt  }
0x68: {  	_ =	shalt  }
0x69: {  	_ =	shalt  }
0x6a: {  	_ =	shalt  }
0x6b: {  	_ =	shalt  }
0x6c: {  	_ =	shalt  }
0x6d: {  	_ =	shalt  }
0x6e: {  	_ =	shalt  }
0x6f: {  	_ =	shalt  }
0x70: {  	_ =	shalt  }
0x71: {  	_ =	shalt  }
0x72: {  	_ =	shalt  }
0x73: {  	_ =	shalt  }
0x74: {  	_ =	shalt  }
0x75: {  	_ =	shalt  }
0x76: {  	_ =	shalt  }
0x77: {  	_ =	shalt  }
0x78: {  	_ =	shalt  }
0x79: {  	_ =	shalt  }
0x7a: {  	_ =	shalt  }
0x7b: {  	_ =	shalt  }
0x7c: {  	_ =	shalt  }
0x7d: {  	_ =	shalt  }
0x7e: {  	_ =	shalt  }
0x7f: {  	_ =	shalt  }
0x80: {  	_ =	shalt  }
0x81: {  	_ =	shalt  }
0x82: {  	_ =	shalt  }
0x83: {  	_ =	shalt  }
0x84: {  	_ =	shalt  }
0x85: {  	_ =	shalt  }
0x86: {  	_ =	shalt  }
0x87: {  	_ =	shalt  }
.Lfunc_end0:
.L_simem_size_0:
called_computation_lowered:
.L_overlay_start_0:
0x88: {  	s2 =	sld [smem:$0x3FD9]  }
0x89: {  	s3 =	sld [smem:$0x3FFE];
	_ =	sdelay $0x1  }
0x8a: {  	s1 =	srdreg.scid  }
0x8b: {  	s0 =	sand.u32 $0x1, s1  }
0x8c: {  	s16 =	sshll.u32 s0, $0xA;
	s2 =	sadd.s32 s3, s2  }
0x8d: {  	s2 =	sadd.s32 s2, s16  }
0x8e: {  	[smem:$0x3FBF] =	sst s2  }
0x8f: {  	_ = 	snop  }
0x90: {  	(tm) =	ssettm $0x1  }
0x91: {  	s17 =	sld [smem:$0x3FFB];
	_ =	sdelay $0x3  }
0x92: {  	_ =	strace s17  }
0x93: {  	s2 =	sld [smem:$0x3FFC];
	_ =	sdelay $0x3  }
0x94: {  	_ =	strace s2  }
0x95: {  	s2 =	sld [smem:$0x3FFD];
	_ =	sdelay $0x3  }
0x96: {  	_ =	strace s2  }
0x97: {  	_ =	strace $0x8FFFFFFF  }
0x98: {  	s18 =	sld [smem:$0x3FDB];
	_ =	sdelay $0x1  }
0x99: {  	s19 =	simm.s32 $_scs_section_size  }
0x9a: {  	s4 =	simm.s32 $_size__tile_overlayer_lowered;
	s5 =	simm.s32 $_tile_overlayer_lowered  }
0x9b: {  	s22 =	simm.s32 $0x1BFF;
	s21 =	sshll.u32 s5, $0x1;
	s2 =	sadd.s32 s19, s18  }
0x9c: {  	s6 =	simm.s32 $0x0;
	s20 =	sshll.u32 s4, $0x1;
	s4 =	sadd.s32 s21, s2  }
0x9d: {  	[timem:s6], [sflag:s22] =	dma.local [hbm:s4], s20  }
0x9e: {  	_ =	swait.ge [sflag:s22], s20  }
0x9f: {  	s3 =	ssub.s32 $0x0, s20;
	[sflag:s22] =	ssyncset.done $0x0  }
0xa0: {  	[sflag:s22] =	ssyncadd.s32 s3;
	_ =	sdelay $0x1  }
0xa1: {  	s23 =	simm.s32 $0x1B8B  }
0xa2: {  	_ =	swait.ge [sflag:s23], $0x1  }
0xa3: {  	[sflag:s23] =	ssyncset.done $0x0  }
0xa4: {  	s25 =	simm.s32 $0x1B8E;
	s24 =	sld [smem:$0x3FFE];
	[sflag:s23] =	ssyncadd.s32 $0xFFFFFFFF  }
0xa5: {  	s26 =	simm.s32 $execute0_lowered;
	[smem:$0x3FD2] =	sst s25  }
0xa6: {  	s4 =	sshll.u32 s26, $0x1;
	_ =	strace $0x80000046;
	[dreg:$0x1] =	wrdreg $0xFFFFFFFF  }
0xa7: {  	s28 =	simm.s32 $_size_execute0_lowered;
	s2 =	sadd.s32 s2, s4;
	[dreg:$0x0] =	wrdreg $0x0  }
0xa8: {  	s4 =	sshll.u32 s28, $0x1;
	[dreg:$0x2] =	wrdreg s2  }
0xa9: {  	[dreg:$0x3] =	wrdreg s4  }
0xaa: {  	[dreg:$0x4] =	wrdreg $0xC0  }
0xab: {  	_ =	task [dreg:s6], $0x5FFFF  }
0xac: {  	[dreg:$0x1] =	wrdreg $0xFFFFFFFF  }
0xad: {  	[dreg:$0x0] =	wrdreg $0x60  }
0xae: {  	[dreg:$0x2] =	wrdreg s24  }
0xaf: {  	[dreg:$0x3] =	wrdreg $0x3800  }
0xb0: {  	[dreg:$0x4] =	wrdreg $0x9  }
0xb1: {  	_ =	task.clear_ibuf [dreg:s6], $0x5FFFF;
	_ =	strace $0x90000046  }
0xb2: {  	s29 =	simm.s32 $0x9;
	_ =	strace $0x80000048  }
0xb3: {  	_ =	swait.ge [sflag:s29], $0x1  }
0xb4: {  	[sflag:s29] =	ssyncadd.s32 $0xFFFFFFFF  }
0xb5: {  	_ =	strace $0x90000048  }
0xb6: {  	_ =	sfence  }
0xb7: {  	s30 =	sld [smem:$0x0];
	_ =	sdelay $0x2  }
0xb8: {  	s31 =	sshll.u32 s1, $0xD;
	s1 =	sshrl.u32 s1, $0x2  }
0xb9: {  	s3 =	sand.u32 $0x4000, s31;
	s1 =	sadd.s32 s1, s30  }
0xba: {  	s0 =	sor.u32 s3, s0;
	s1 =	sshll.u32 s1, $0x11  }
0xbb: {  	s0 =	sor.u32 s1, s0  }
0xbc: {  	s0 =	sadd.s32 $0x8F2B, s0  }
0xbd: {  	[sflag:s0] =	ssyncadd.remote.s32 $0x1  }
0xbe: {  	_ =	sfence.sel $0xFFFF  }
0xbf: {  	[dreg:$0x0] =	wrdreg $0xFFFFFFFF;
	(pc) =	sbr.abs _section_cstart, $3  }
0xc0: {  	[dreg:$0x1] =	wrdreg $0xFFFFFFFF  }
0xc1: {  	_ =	task.clear_ibuf [dreg:s6], $0x2FFFF;
	_ =	strace $0x9FFFFFFF  }
0xc2: {  	(tm) =	ssettm $0x7FFFFFFF  }
0xc3: {  	_ =	shalt  }
tec
execute0_lowered:
.L_overlay_start_1:
0x0: {  	(tag) =	ssettag $0x1  }
0x1: {  	s4 =	rddreg [dreg:$0x0]  }
0x2: {  	s2 =	rddreg [dreg:$0x1]  }
0x3: {  	s0 =	rddreg [dreg:$0x2];
	s1 =	stileid.u32  }
0x4: {  	s3 =	simm.s32 $0x0;
	s6 =	srdreg.scid;
	s5 =	smul.u32 $0x9E0, s1  }
0x5: {  	s11 =	simm.s32 $0x0;
	[smem:$0x7FF] =	sst s3;
	s7 =	smul.u32 $0x500, s1  }
0x6: {  	s6 =	sand.u32 $0x1, s6;
	s9 =	smul.u32 $0xA00, s1;
	_ =	strace $0x80000047  }
0x7: {  	s29 =	sshll.u32 s6, $0x7;
	s30 =	ssub.s32 $0x2, s6;
	s6 =	smul.u32 $0x4F0, s6  }
0x8: {  	s8 =	sadd.s32 s5, s4;
	s5 =	sor.u32 s29, s7;
	s10 =	sshrl.u32 s30, $0x1  }
0x9: {  	s31 =	sshrl.u32 s9, $0x2;
	s9 =	simm.s32 $0x1;
	s5 =	sshrl.u32 s5, $0x3  }
0xa: {  	s7 =	ssub.s32 s30, s10;
	s8 =	sadd.s32 s6, s8;
	s10 =	simm.s32 $0x80  }
0xb: {  	s5 =	sadd.s32 s5, s4;
	s4 =	sadd.s32 s31, s2;
	s6 =	smax.u32 s7, $0x1  }
0xc: {  	v0 =	vimm.f32 $1.000000000e+00;
	v1 =	vimm.f32 $0.0e+00;
	s7 =	sadd.s32 $0x2C00, s8;
	s8 =	simm.s32 $0x100;
	s5 =	sadd.s32 $0xCA00, s5  }
.LBB2_1:
0xd: {  	[tilespmem:$0x80] =	vst v0  }
0xe: {  	[tilespmem:$0x90] =	vst v0  }
0xf: {  	[tilespmem:$0xA0] =	vst v0  }
0x10: {  	[tilespmem:$0xB0] =	vst v0  }
0x11: {  	[tilespmem:$0xC0] =	vst v0  }
0x12: {  	[tilespmem:$0xD0] =	vst v0  }
0x13: {  	[tilespmem:$0xE0] =	vst v0  }
0x14: {  	[tilespmem:$0xF0] =	vst v0  }
0x15: {  	[tilespmem:$0x100] =	vst v1  }
0x16: {  	[tilespmem:$0x110] =	vst v1  }
0x17: {  	[tilespmem:$0x120] =	vst v1  }
0x18: {  	[tilespmem:$0x130] =	vst v1  }
0x19: {  	[tilespmem:$0x140] =	vst v1  }
0x1a: {  	[tilespmem:$0x150] =	vst v1  }
0x1b: {  	[tilespmem:$0x160] =	vst v1  }
0x1c: {  	[tilespmem:$0x170] =	vst v1  }
0x1d: {  	[tilespmem:$0x180] =	vst v1  }
0x1e: {  	[tilespmem:$0x190] =	vst v1  }
0x1f: {  	[tilespmem:$0x1A0] =	vst v1  }
0x20: {  	[tilespmem:$0x1B0] =	vst v1  }
0x21: {  	[tilespmem:$0x1C0] =	vst v1  }
0x22: {  	[tilespmem:$0x1D0] =	vst v1  }
0x23: {  	[tilespmem:$0x1E0] =	vst v1  }
0x24: {  	[tilespmem:$0x1F0] =	vst v1  }
0x25: {  	[tilespmem:$0x200] =	vst v1  }
0x26: {  	[tilespmem:$0x210] =	vst v1  }
0x27: {  	[tilespmem:$0x220] =	vst v1  }
0x28: {  	[tilespmem:$0x230] =	vst v1  }
0x29: {  	[tilespmem:$0x240] =	vst v1  }
0x2a: {  	[tilespmem:$0x250] =	vst v1  }
0x2b: {  	[tilespmem:$0x260] =	vst v1  }
0x2c: {  	[tilespmem:$0x270] =	vst v1  }
0x2d: {  	[tilespmem:$0x280] =	vst v1  }
0x2e: {  	[tilespmem:$0x290] =	vst v1  }
0x2f: {  	[tilespmem:$0x2A0] =	vst v1  }
0x30: {  	[tilespmem:$0x2B0] =	vst v1  }
0x31: {  	[tilespmem:$0x2C0] =	vst v1  }
0x32: {  	[tilespmem:$0x2D0] =	vst v1  }
0x33: {  	[tilespmem:$0x2E0] =	vst v1  }
0x34: {  	[tilespmem:$0x2F0] =	vst v1  }
0x35: {  	[tilespmem:$0x300] =	vst v1  }
0x36: {  	[tilespmem:$0x310] =	vst v1  }
0x37: {  	[tilespmem:$0x320] =	vst v1  }
0x38: {  	[tilespmem:$0x330] =	vst v1  }
0x39: {  	[tilespmem:$0x340] =	vst v1  }
0x3a: {  	[tilespmem:$0x350] =	vst v1  }
0x3b: {  	[tilespmem:$0x360] =	vst v1  }
0x3c: {  	[tilespmem:$0x370] =	vst v1  }
0x3d: {  	[spmem:s4] =	stream.linear.scatter [tilespmem:s8], [sflag:$0x1], $0x280, $0x38;
	[tilespmem:$0x600] =	vst v63  }
0x3e: {  	_ =	swait.ge [sflag:s9], $0x280  }
0x3f: {  	[sflag:s9] =	ssyncset.done $0x0  }
0x40: {  	[sflag:s9] =	ssyncadd.s32 $0xFFFFFD80  }
0x41: {  	s12 =	sadd.s32 $0x0, s7;
	[bflag:$0x0] =	sbarrier.arrive $0xFFFF  }
0x42: {  	[tilespmem:s3], [sflag:$0x1] =	stream.linear.gather [hbm4b:s12+s3], $0x80, $0x38;
	[tilespmem:$0x600] =	vst v63  }
0x43: {  	_ =	swait.ge [sflag:s9], $0x80  }
0x44: {  	[sflag:s9] =	ssyncset.done $0x0  }
0x45: {  	[sflag:s9] =	ssyncadd.s32 $0xFFFFFF80  }
0x46: {  	[spmem:s2] =	stream.indirect.scatter.add.f32 [tilespmem:s10], [sflag:$0x1], $0x1, s3, s10, $0xb8;
	[tilespmem:$0x600] =	vst v63  }
0x47: {  	_ =	swait.ge [sflag:s9], $0x80  }
0x48: {  	s13 =	simm.s32 $0x20;
	s12 =	simm.s32 $0x10;
	[sflag:s9] =	ssyncset.done $0x0  }
.LBB2_2:
0x49: {  	s14 =	sadd.s32 s12, s7  }
0x4a: {  	[sflag:s9] =	ssyncadd.s32 $0xFFFFFF80;
	s12 =	smov.u32 s13;
	s15 =	sadd.s32 $0x10, s13  }
0x4b: {  	[tilespmem:s3], [sflag:$0x1] =	stream.linear.gather [hbm4b:s14+s3], $0x80, $0x38;
	[tilespmem:$0x600] =	vst v63  }
0x4c: {  	p0 =	sne.s32 s13, $0x4E0;
	_ =	swait.ge [sflag:s9], $0x80  }
.Ltmp0:
0x4d: {  	[sflag:s9] =	ssyncset.done $0x0;
	(pc) =	sbr.rel @p0 .LBB2_2-.Ltmp0, $4  }
0x4e: {  	[sflag:s9] =	ssyncadd.s32 $0xFFFFFF80  }
0x4f: {  	[spmem:s2] =	stream.indirect.scatter.add.f32 [tilespmem:s10], [sflag:$0x1], $0x1, s3, s10, $0xb8;
	[tilespmem:$0x600] =	vst v63  }
0x50: {  	_ =	swait.ge [sflag:s9], $0x80  }
0x51: {  	s13 =	smov.u32 s15;
	[sflag:s9] =	ssyncset.done $0x0  }
0x52: {  	s12 =	sadd.s32 s12, s7;
	[sflag:s9] =	ssyncadd.s32 $0xFFFFFF80  }
0x53: {  	[tilespmem:s3], [sflag:$0x1] =	stream.linear.gather [hbm4b:s12+s3], $0x80, $0x38;
	[tilespmem:$0x600] =	vst v63  }
0x54: {  	_ =	swait.ge [sflag:s9], $0x80  }
0x55: {  	[sflag:s9] =	ssyncset.done $0x0  }
0x56: {  	[sflag:s9] =	ssyncadd.s32 $0xFFFFFF80  }
0x57: {  	[spmem:s2] =	stream.indirect.scatter.add.f32 [tilespmem:s10], [sflag:$0x1], $0x1, s3, s10, $0xb8;
	[tilespmem:$0x600] =	vst v63  }
0x58: {  	_ =	swait.ge [sflag:s9], $0x80  }
0x59: {  	[sflag:s9] =	ssyncset.done $0x0  }
0x5a: {  	[sflag:s9] =	ssyncadd.s32 $0xFFFFFF80  }
0x5b: {  	[bflag:$0x0] =	sbarrier.arrive $0xFFFF  }
0x5c: {  	[tilespmem:s8], [sflag:$0x1] =	stream.linear.gather [spmem:s4], $0x280, $0x38;
	[tilespmem:$0x600] =	vst v63  }
0x5d: {  	s11 =	sadd.s32 $0x1, s11;
	_ =	swait.ge [sflag:s9], $0x280  }
0x5e: {  	p0 =	sne.s32 s11, s6;
	[sflag:s9] =	ssyncset.done $0x0  }
.Ltmp1:
0x5f: {  	[sflag:s9] =	ssyncadd.s32 $0xFFFFFD80;
	(pc) =	sbr.rel @p0 .LBB2_1-.Ltmp1, $4  }
0x60: {  	[hbm4b:s5+s10] =	stream.strided.scatter [tilespmem:s8], [sflag:$0x1], $0x280, s8, s10, $0x38;
	[tilespmem:$0x600] =	vst v63  }
0x61: {  	_ =	swait.ge [sflag:s9], $0x280  }
0x62: {  	[sflag:s9] =	ssyncset.done $0x0  }
0x63: {  	[sflag:s9] =	ssyncadd.s32 $0xFFFFFD80  }
0x64: {  	_ =	sfence.sel $0x180000  }
0x65: {  	[bflag:$0x0] =	sbarrier.arrive $0xFFFF  }
0x66: {  	p0 =	sne.s32 s1, $0x0;
	_ =	strace $0x90000047  }
0x67: {  	s0 =	sadd.s32 @!p0 $0x100000, s0;
	[bflag:$0x2] =	sbarrier.arrive $0xFFFF  }
0x68: {  	[sflag:s0] =	ssyncadd.tile.s32 @!p0 $0x1;
	_ =	shalt  }
.Lfunc_end2:
_tile_overlayer_lowered:
.L_overlay_start_2:
0x69: {  	(tag) =	ssettag $0x2  }
0x6a: {  	s0 =	rddreg [dreg:$0x0];
	s2 =	stileid.u32  }
0x6b: {  	s1 =	rddreg [dreg:$0x1];
	p0 =	sne.s32 s2, $0x0  }
0x6c: {  	s3 =	rddreg [dreg:$0x2];
	[bflag:$0x3] =	sbarrier.arrive $0xFFFF;
	s2 =	simm.s32 @!p0 $0x1C01  }
0x6d: {  	[timem:s3], [sflag:s2] =	dma.local @!p0 [hbm:s0], s1  }
0x6e: {  	s0 =	simm.s32 @!p0 $0x1  }
0x6f: {  	_ =	swait.ge @!p0 [sflag:s0], s1  }
0x70: {  	s1 =	ssub.s32 @!p0 $0x0, s1;
	[sflag:s0] =	ssyncset.done @!p0 $0x0  }
0x71: {  	[sflag:s0] =	ssyncadd.s32 @!p0 s1  }
0x72: {  	[bflag:$0x3] =	sbarrier.arrive $0xFFFF  }
0x73: {  	_ =	shalt  }

</sc_bundles>
